<compile_context>
chip_gen: v7x
topology: tpu7x:2x2x1
jax: 0.10.2.dev20260603
libtpu: 0.0.44.dev20260713+nightly
codegen_flags: <defaults>
</compile_context>

<pallas_src>
import math

import jax
import jax.numpy as jnp
from jax import lax
from jax.experimental import pallas as pl
from jax.experimental.pallas import tpu as pltpu
from jax.experimental.pallas import tpu_sc as plsc

N = 10000
E = 320000
M = 20000
G = 512
D = 128
R = 8

NC, NS = 2, 16
K = 128
NCHUNK = -(-E // (NC * NS * K))
E_PAD = NC * NS * NCHUNK * K
N_PAD = 10016
ROWS_PT = N_PAD // NS
W = 144

MCH = 2000
NCH = M // MCH

CS = 1250
CH = N // CS


def _a1_body(x_ref, wg_ref, ws_ref, rel_ref, tab_ref, xs_ref):
    r = pl.program_id(0)
    xg = jnp.dot(x_ref[...], wg_ref[...], preferred_element_type=jnp.float32)
    s = rel_ref[r % R]
    tab_ref[0, :, 0:D] = xg * s
    row = lax.broadcasted_iota(jnp.int32, (N_PAD, W - D), 0)
    lane = lax.broadcasted_iota(jnp.int32, (N_PAD, W - D), 1)
    tab_ref[0, :, D:W] = jnp.where((lane == 0) & (row < N), 1.0, 0.0)

    @pl.when(r == 0)
    def _():
        xs_ref[...] = jnp.dot(x_ref[...], ws_ref[...],
                              preferred_element_type=jnp.float32)


def _a2_body(f_ref, fb_ref, wf_ref, kf_ref, fsum, cnt):
    i = pl.program_id(0)

    @pl.when(i == 0)
    def _():
        fsum[...] = jnp.zeros_like(fsum)
        cnt[...] = jnp.zeros_like(cnt)

    oh = (fb_ref[...] == lax.broadcasted_iota(jnp.int32, (1, G), 1))
    ohf = oh.astype(jnp.float32)
    fsum[...] += lax.dot_general(ohf, f_ref[...], (((0,), (0,)), ((), ())),
                                 preferred_element_type=jnp.float32)
    cnt[...] += lax.dot_general(ohf, jnp.ones((MCH, 1), jnp.float32),
                                (((0,), (0,)), ((), ())),
                                preferred_element_type=jnp.float32)

    @pl.when(i == NCH - 1)
    def _():
        fpool = fsum[...] / jnp.maximum(cnt[...], 1.0)
        kf_ref[...] = jnp.dot(fpool, wf_ref[...],
                              preferred_element_type=jnp.float32)


def _sc_body(tab_ref, gidx_ref, sidx_ref, zero_ref, out_ref,
             gi_v, si_v, rows_v, agg_sp, sem):
    cid = lax.axis_index("c")
    sid = lax.axis_index("s")
    base = sid * ROWS_PT
    pltpu.sync_copy(zero_ref.at[pl.ds(base, ROWS_PT)],
                    agg_sp.at[pl.ds(base, ROWS_PT)])
    pltpu.sync_copy(gidx_ref.at[cid, sid], gi_v)
    pltpu.sync_copy(sidx_ref.at[cid, sid], si_v)
    plsc.subcore_barrier()

    def chunk(j, carry):
        pltpu.async_copy(tab_ref.at[gi_v.at[j]], rows_v, sem).wait()
        pltpu.sync_copy(rows_v, agg_sp.at[si_v.at[j]], add=True)
        return carry

    lax.fori_loop(0, NCHUNK, chunk, 0)
    plsc.subcore_barrier()
    pltpu.sync_copy(agg_sp.at[pl.ds(base, ROWS_PT)],
                    out_ref.at[cid, pl.ds(base, ROWS_PT)])


def _c_body(agg_ref, xs_ref, xb_ref, kf_ref, wh_ref, wl_ref,
            z_ref, al_ref, e_scr, ex_scr, emax_scr, den_scr):
    kf = kf_ref[...]
    wh = wh_ref[...]
    wl = wl_ref[...]
    iota_g = lax.broadcasted_iota(jnp.int32, (1, G), 1)
    inv_sqrt_d = 1.0 / math.sqrt(float(D))

    def onehot(i):
        return xb_ref[i * CS:(i + 1) * CS, :] == iota_g

    def make_h(i):
        a0 = agg_ref[0, i * CS:(i + 1) * CS, :]
        a1 = agg_ref[1, i * CS:(i + 1) * CS, :]
        agg = a0[:, 0:D] + a1[:, 0:D]
        deg = a0[:, D:D + 1] + a1[:, D:D + 1]
        return agg / jnp.maximum(deg, 1.0) + xs_ref[i * CS:(i + 1) * CS, :]

    for i in range(CH):
        p = onehot(i)
        h = make_h(i)
        q = jnp.dot(h, wh, preferred_element_type=jnp.float32)
        kfx = jnp.dot(p.astype(jnp.float32), kf,
                      preferred_element_type=jnp.float32)
        e = jnp.sum(q * kfx, axis=1, keepdims=True) * inv_sqrt_d
        e_scr[:, i:i + 1] = e
        m = jnp.max(jnp.where(p, e, -1e30), axis=0, keepdims=True)
        if i == 0:
            emax_scr[...] = m
        else:
            emax_scr[...] = jnp.maximum(emax_scr[...], m)

    for i in range(CH):
        p = onehot(i)
        em = jnp.max(jnp.where(p, emax_scr[...], -1e30), axis=1, keepdims=True)
        ex = jnp.exp(e_scr[:, i:i + 1] - em)
        ex_scr[:, i:i + 1] = ex
        dp = jnp.sum(jnp.where(p, ex, 0.0), axis=0, keepdims=True)
        if i == 0:
            den_scr[...] = dp
        else:
            den_scr[...] += dp

    for i in range(CH):
        p = onehot(i)
        den = jnp.sum(jnp.where(p, den_scr[...], 0.0), axis=1, keepdims=True)
        alpha = ex_scr[:, i:i + 1] / den
        kfx = jnp.dot(p.astype(jnp.float32), kf,
                      preferred_element_type=jnp.float32)
        h = make_h(i)
        z_ref[i * CS:(i + 1) * CS, :] = jnp.dot(
            h + alpha * kfx, wl, preferred_element_type=jnp.float32)
        al_ref[i * CS:(i + 1) * CS, :] = alpha


def kernel(f, x, edge_index, edge_type, f_batch, x_batch,
           W_gcn, W_self, rel_scale, Wf, Wh, W_lin):
    x_pad = jnp.concatenate([x, jnp.zeros((N_PAD - N, D), jnp.float32)], axis=0)
    gidx = edge_type * N_PAD + edge_index[0]
    sidx = edge_index[1]
    pad = E_PAD - E
    gidx = jnp.concatenate([gidx, jnp.full((pad,), N, jnp.int32)])
    sidx = jnp.concatenate([sidx, jnp.full((pad,), N, jnp.int32)])
    gidx = gidx.reshape(NC, NS, NCHUNK, K)
    sidx = sidx.reshape(NC, NS, NCHUNK, K)
    zeros = jnp.zeros((N_PAD, W), jnp.float32)
    fb2 = f_batch.reshape(M, 1)
    xb2 = x_batch.reshape(N, 1)

    tab, xs = pl.pallas_call(
        _a1_body,
        grid=(R,),
        in_specs=[
            pl.BlockSpec((N_PAD, D), lambda r: (0, 0)),
            pl.BlockSpec((D, D), lambda r: (0, 0)),
            pl.BlockSpec((D, D), lambda r: (0, 0)),
            pl.BlockSpec(memory_space=pltpu.SMEM),
        ],
        out_specs=[
            pl.BlockSpec((1, N_PAD, W), lambda r: (r, 0, 0)),
            pl.BlockSpec((N_PAD, D), lambda r: (0, 0)),
        ],
        out_shape=[
            jax.ShapeDtypeStruct((R, N_PAD, W), jnp.float32),
            jax.ShapeDtypeStruct((N_PAD, D), jnp.float32),
        ],
    )(x_pad, W_gcn, W_self, rel_scale)

    kf = pl.pallas_call(
        _a2_body,
        grid=(NCH,),
        in_specs=[
            pl.BlockSpec((MCH, D), lambda i: (i, 0)),
            pl.BlockSpec((MCH, 1), lambda i: (i, 0)),
            pl.BlockSpec((D, D), lambda i: (0, 0)),
        ],
        out_specs=pl.BlockSpec((G, D), lambda i: (0, 0)),
        out_shape=jax.ShapeDtypeStruct((G, D), jnp.float32),
        scratch_shapes=[
            pltpu.VMEM((G, D), jnp.float32),
            pltpu.VMEM((G, 1), jnp.float32),
        ],
    )(f, fb2, Wf)

    mesh = plsc.VectorSubcoreMesh(core_axis_name="c", subcore_axis_name="s")
    agg2 = pl.kernel(
        _sc_body,
        out_type=jax.ShapeDtypeStruct((NC, N_PAD, W), jnp.float32),
        mesh=mesh,
        compiler_params=pltpu.CompilerParams(use_tc_tiling_on_sc=False),
        scratch_types=[
            pltpu.VMEM((NCHUNK, K), jnp.int32),
            pltpu.VMEM((NCHUNK, K), jnp.int32),
            pltpu.VMEM((K, W), jnp.float32),
            pltpu.VMEM_SHARED((N_PAD, W), jnp.float32),
            pltpu.SemaphoreType.DMA,
        ],
    )(tab.reshape(R * N_PAD, W), gidx, sidx, zeros)

    z, al = pl.pallas_call(
        _c_body,
        in_specs=[
            pl.BlockSpec((NC, N_PAD, W), lambda: (0, 0, 0)),
            pl.BlockSpec((N_PAD, D), lambda: (0, 0)),
            pl.BlockSpec((N, 1), lambda: (0, 0)),
            pl.BlockSpec((G, D), lambda: (0, 0)),
            pl.BlockSpec((D, D), lambda: (0, 0)),
            pl.BlockSpec((D, D), lambda: (0, 0)),
        ],
        out_specs=[
            pl.BlockSpec((N, D), lambda: (0, 0)),
            pl.BlockSpec((N, 1), lambda: (0, 0)),
        ],
        out_shape=[
            jax.ShapeDtypeStruct((N, D), jnp.float32),
            jax.ShapeDtypeStruct((N, 1), jnp.float32),
        ],
        scratch_shapes=[
            pltpu.VMEM((CS, CH), jnp.float32),
            pltpu.VMEM((CS, CH), jnp.float32),
            pltpu.VMEM((1, G), jnp.float32),
            pltpu.VMEM((1, G), jnp.float32),
        ],
    )(agg2, xs, xb2, kf, Wh, W_lin)

    return z, al.reshape(N)

# --- scband reference (transcript-rebuilt; emitter-appended) ---
"""Pipeline reference for scband-decoder-block-28716151341721 (READ-ONLY COPY).

The authoritative reference and input builder live on the scoring server;
editing this copy changes nothing except your own understanding.
"""

import jax, jax.numpy as jnp
import numpy as np

N, E, M, G = 10000, 320000, 20000, 512
D = 128
R = 8

def _glorot(k, shape):
    lim = np.sqrt(6.0 / (shape[0] + shape[1]))
    return jax.random.uniform(k, shape, jnp.float32, -lim, lim)

def setup_inputs(seed: int = 0):
    key = jax.random.key(seed)
    ks = jax.random.split(key, 14)
    f = jax.random.normal(ks[0], (M, D), jnp.float32)
    x = jax.random.normal(ks[1], (N, D), jnp.float32)
    edge_index = jax.random.randint(ks[2], (2, E), 0, N, jnp.int32)
    edge_type = jax.random.randint(ks[3], (E,), 0, R, jnp.int32)
    f_batch = jnp.sort(jax.random.randint(ks[4], (M,), 0, G, jnp.int32))
    x_batch = jnp.sort(jax.random.randint(ks[5], (N,), 0, G, jnp.int32))
    W_gcn = _glorot(ks[6], (D, D))
    W_self = _glorot(ks[7], (D, D))
    rel_scale = jnp.ones((R,), jnp.float32)
    Wf = _glorot(ks[8], (D, D))
    Wh = _glorot(ks[9], (D, D))
    W_lin = _glorot(ks[10], (D, D))
    return {"f": f, "x": x, "edge_index": edge_index, "edge_type": edge_type,
            "f_batch": f_batch, "x_batch": x_batch, "W_gcn": W_gcn, "W_self": W_self,
            "rel_scale": rel_scale, "Wf": Wf, "Wh": Wh, "W_lin": W_lin}

def reference(f, x, edge_index, edge_type, f_batch, x_batch, W_gcn, W_self, rel_scale, Wf, Wh, W_lin):
    n = x.shape[0]
    src = edge_index[0]
    dst = edge_index[1]
    # GCN: relation-scaled message passing with mean aggregation + self transform
    msg = (x[src] @ W_gcn) * rel_scale[edge_type][:, None]
    agg = jax.ops.segment_sum(msg, dst, num_segments=n)
    deg = jax.ops.segment_sum(jnp.ones((src.shape[0],), jnp.float32), dst, num_segments=n)
    h = agg / jnp.clip(deg, 1.0, None)[:, None] + x @ W_self
    # AttBlock: per-graph pooled global feature f attends over nodes (segment softmax)
    fsum = jax.ops.segment_sum(f, f_batch, num_segments=G)
    fcnt = jax.ops.segment_sum(jnp.ones((f.shape[0],), jnp.float32), f_batch, num_segments=G)
    f_pool = fsum / jnp.clip(fcnt, 1.0, None)[:, None]
    kf = f_pool @ Wf
    q = h @ Wh
    e = jnp.sum(q * kf[x_batch], axis=-1) / jnp.sqrt(jnp.float32(D))
    emax = jax.ops.segment_max(e, x_batch, num_segments=G)
    ex = jnp.exp(e - emax[x_batch])
    den = jax.ops.segment_sum(ex, x_batch, num_segments=G)
    alpha = ex / den[x_batch]
    c = alpha[:, None] * kf[x_batch]
    z = (h + c) @ W_lin
    return z, alpha

if __name__ == "__main__":
    import jax
    _d = setup_inputs()
    print(jax.jit(kernel)(*tuple(_d.values())))

</pallas_src>

<mosaic_0001>
#map = affine_map<(d0, d1) -> (0, 0)>
#map1 = affine_map<(d0, d1) -> (0, 0, 0, 0)>
#map2 = affine_map<(d0, d1) -> (0, 0, 0)>
module attributes {stable_mosaic.version = 14 : i64} {
  func.func @_sc_body(%arg0: i32, %arg1: i32, %arg2: memref<80128x144xf32, #tpu.memory_space<hbm>>, %arg3: memref<2x16x79x128xi32, #tpu.memory_space<hbm>>, %arg4: memref<2x16x79x128xi32, #tpu.memory_space<hbm>>, %arg5: memref<10016x144xf32, #tpu.memory_space<hbm>>, %arg6: memref<2x10016x144xf32, #tpu.memory_space<hbm>>, %arg7: memref<79x128xi32, #tpu.memory_space<vmem>>, %arg8: memref<79x128xi32, #tpu.memory_space<vmem>>, %arg9: memref<128x144xf32, #tpu.memory_space<vmem>>, %arg10: memref<10016x144xf32, #tpu.memory_space<vmem_shared>>, %arg11: memref<!tpu.dma_semaphore, #tpu.memory_space<semaphore_mem>>) attributes {dimension_semantics = [#tpu.dimension_semantics<core_parallel>, #tpu.dimension_semantics<subcore_parallel>], iteration_bounds = array<i64: 2, 16>, scalar_prefetch = 0 : i64, scratch_operands = 5 : i64, tpu.core_type = #tpu.core_type<sc_vector_subcore>, window_params = [{transform_indices = #map}, {transform_indices = #map1}, {transform_indices = #map1}, {transform_indices = #map}, {transform_indices = #map2}]} {
    %mul3A = arith.constant 626 : i32
    %mul3A_0 = arith.muli %arg1, %mul3A : i32
    "tpu.region"() ({
      %run_scoped3A = tpu.sem_alloc : memref<!tpu.dma_semaphore, #tpu.memory_space<semaphore_mem>>
      %dma_start3A = arith.constant 0 : i32
      %dma_start3A_7 = tpu.memref_slice %arg10[%mul3A_0, %dma_start3A] : memref<10016x144xf32, #tpu.memory_space<vmem_shared>> -> memref<626x144xf32, #tpu.memory_space<vmem_shared>>
      %dma_start3A_8 = arith.constant 0 : i32
      %dma_start3A_9 = tpu.memref_slice %arg5[%mul3A_0, %dma_start3A_8] : memref<10016x144xf32, #tpu.memory_space<hbm>> -> memref<626x144xf32, #tpu.memory_space<hbm>>
      tpu.enqueue_dma source(%dma_start3A_9 : memref<626x144xf32, #tpu.memory_space<hbm>>) target(%dma_start3A_7 : memref<626x144xf32, #tpu.memory_space<vmem_shared>>) target_semaphore(%run_scoped3A : memref<!tpu.dma_semaphore, #tpu.memory_space<semaphore_mem>>)
      %dma_wait3A = arith.constant 0 : i32
      %dma_wait3A_10 = tpu.memref_slice %arg10[%mul3A_0, %dma_wait3A] : memref<10016x144xf32, #tpu.memory_space<vmem_shared>> -> memref<626x144xf32, #tpu.memory_space<vmem_shared>>
      %dma_wait3A_11 = arith.constant 0 : i32
      %dma_wait3A_12 = tpu.memref_slice %arg5[%mul3A_0, %dma_wait3A_11] : memref<10016x144xf32, #tpu.memory_space<hbm>> -> memref<626x144xf32, #tpu.memory_space<hbm>>
      tpu.wait_dma2 semaphore(%run_scoped3A : memref<!tpu.dma_semaphore, #tpu.memory_space<semaphore_mem>>) src(%dma_wait3A_12 : memref<626x144xf32, #tpu.memory_space<hbm>>) dst(%dma_wait3A_10 : memref<626x144xf32, #tpu.memory_space<vmem_shared>>)
      tpu.yield
    }) : () -> ()
    "tpu.region"() ({
      %run_scoped3A = tpu.sem_alloc : memref<!tpu.dma_semaphore, #tpu.memory_space<semaphore_mem>>
      %dma_start3A = arith.constant 0 : i32
      %dma_start3A_7 = arith.constant 0 : i32
      %dma_start3A_8 = tpu.memref_slice %arg3[%arg0, %arg1, %dma_start3A, %dma_start3A_7] : memref<2x16x79x128xi32, #tpu.memory_space<hbm>> -> memref<1x1x79x128xi32, #tpu.memory_space<hbm>>
      %dma_start3A_9 = tpu.memref_squeeze %dma_start3A_8 : memref<1x1x79x128xi32, #tpu.memory_space<hbm>> -> memref<79x128xi32, #tpu.memory_space<hbm>>
      %dma_start3A_10 = arith.constant 0 : i32
      %dma_start3A_11 = arith.constant 0 : i32
      %dma_start3A_12 = tpu.memref_slice %arg3[%arg0, %arg1, %dma_start3A_10, %dma_start3A_11] : memref<2x16x79x128xi32, #tpu.memory_space<hbm>> -> memref<1x1x79x128xi32, #tpu.memory_space<hbm>>
      %dma_start3A_13 = tpu.memref_squeeze %dma_start3A_12 : memref<1x1x79x128xi32, #tpu.memory_space<hbm>> -> memref<79x128xi32, #tpu.memory_space<hbm>>
      tpu.enqueue_dma source(%dma_start3A_13 : memref<79x128xi32, #tpu.memory_space<hbm>>) target(%arg7 : memref<79x128xi32, #tpu.memory_space<vmem>>) target_semaphore(%run_scoped3A : memref<!tpu.dma_semaphore, #tpu.memory_space<semaphore_mem>>)
      %dma_wait3A = arith.constant 0 : i32
      %dma_wait3A_14 = arith.constant 0 : i32
      %dma_wait3A_15 = tpu.memref_slice %arg3[%arg0, %arg1, %dma_wait3A, %dma_wait3A_14] : memref<2x16x79x128xi32, #tpu.memory_space<hbm>> -> memref<1x1x79x128xi32, #tpu.memory_space<hbm>>
      %dma_wait3A_16 = tpu.memref_squeeze %dma_wait3A_15 : memref<1x1x79x128xi32, #tpu.memory_space<hbm>> -> memref<79x128xi32, #tpu.memory_space<hbm>>
      %dma_wait3A_17 = arith.constant 0 : i32
      %dma_wait3A_18 = arith.constant 0 : i32
      %dma_wait3A_19 = tpu.memref_slice %arg3[%arg0, %arg1, %dma_wait3A_17, %dma_wait3A_18] : memref<2x16x79x128xi32, #tpu.memory_space<hbm>> -> memref<1x1x79x128xi32, #tpu.memory_space<hbm>>
      %dma_wait3A_20 = tpu.memref_squeeze %dma_wait3A_19 : memref<1x1x79x128xi32, #tpu.memory_space<hbm>> -> memref<79x128xi32, #tpu.memory_space<hbm>>
      tpu.wait_dma2 semaphore(%run_scoped3A : memref<!tpu.dma_semaphore, #tpu.memory_space<semaphore_mem>>) src(%dma_wait3A_20 : memref<79x128xi32, #tpu.memory_space<hbm>>) dst(%arg7 : memref<79x128xi32, #tpu.memory_space<vmem>>)
      tpu.yield
    }) : () -> ()
    "tpu.region"() ({
      %run_scoped3A = tpu.sem_alloc : memref<!tpu.dma_semaphore, #tpu.memory_space<semaphore_mem>>
      %dma_start3A = arith.constant 0 : i32
      %dma_start3A_7 = arith.constant 0 : i32
      %dma_start3A_8 = tpu.memref_slice %arg4[%arg0, %arg1, %dma_start3A, %dma_start3A_7] : memref<2x16x79x128xi32, #tpu.memory_space<hbm>> -> memref<1x1x79x128xi32, #tpu.memory_space<hbm>>
      %dma_start3A_9 = tpu.memref_squeeze %dma_start3A_8 : memref<1x1x79x128xi32, #tpu.memory_space<hbm>> -> memref<79x128xi32, #tpu.memory_space<hbm>>
      %dma_start3A_10 = arith.constant 0 : i32
      %dma_start3A_11 = arith.constant 0 : i32
      %dma_start3A_12 = tpu.memref_slice %arg4[%arg0, %arg1, %dma_start3A_10, %dma_start3A_11] : memref<2x16x79x128xi32, #tpu.memory_space<hbm>> -> memref<1x1x79x128xi32, #tpu.memory_space<hbm>>
      %dma_start3A_13 = tpu.memref_squeeze %dma_start3A_12 : memref<1x1x79x128xi32, #tpu.memory_space<hbm>> -> memref<79x128xi32, #tpu.memory_space<hbm>>
      tpu.enqueue_dma source(%dma_start3A_13 : memref<79x128xi32, #tpu.memory_space<hbm>>) target(%arg8 : memref<79x128xi32, #tpu.memory_space<vmem>>) target_semaphore(%run_scoped3A : memref<!tpu.dma_semaphore, #tpu.memory_space<semaphore_mem>>)
      %dma_wait3A = arith.constant 0 : i32
      %dma_wait3A_14 = arith.constant 0 : i32
      %dma_wait3A_15 = tpu.memref_slice %arg4[%arg0, %arg1, %dma_wait3A, %dma_wait3A_14] : memref<2x16x79x128xi32, #tpu.memory_space<hbm>> -> memref<1x1x79x128xi32, #tpu.memory_space<hbm>>
      %dma_wait3A_16 = tpu.memref_squeeze %dma_wait3A_15 : memref<1x1x79x128xi32, #tpu.memory_space<hbm>> -> memref<79x128xi32, #tpu.memory_space<hbm>>
      %dma_wait3A_17 = arith.constant 0 : i32
      %dma_wait3A_18 = arith.constant 0 : i32
      %dma_wait3A_19 = tpu.memref_slice %arg4[%arg0, %arg1, %dma_wait3A_17, %dma_wait3A_18] : memref<2x16x79x128xi32, #tpu.memory_space<hbm>> -> memref<1x1x79x128xi32, #tpu.memory_space<hbm>>
      %dma_wait3A_20 = tpu.memref_squeeze %dma_wait3A_19 : memref<1x1x79x128xi32, #tpu.memory_space<hbm>> -> memref<79x128xi32, #tpu.memory_space<hbm>>
      tpu.wait_dma2 semaphore(%run_scoped3A : memref<!tpu.dma_semaphore, #tpu.memory_space<semaphore_mem>>) src(%dma_wait3A_20 : memref<79x128xi32, #tpu.memory_space<hbm>>) dst(%arg8 : memref<79x128xi32, #tpu.memory_space<vmem>>)
      tpu.yield
    }) : () -> ()
    %barrier3A = arith.constant 0 : index
    tpu.barrier barrier_id(%barrier3A)
    %scan3A = arith.constant 0 : i32
    %scan3A_1 = arith.constant 0 : i32
    %scan3A_2 = arith.constant 79 : i32
    %scan3A_3 = arith.addi %scan3A_1, %scan3A_2 : i32
    %scan3A_4 = arith.constant 1 : i32
    scf.for %scan3A_7 = %scan3A_1 to %scan3A_3 step %scan3A_4  : i32 {
      %dma_start3A = arith.constant 0 : i32
      %dma_start3A_8 = tpu.memref_slice %arg7[%scan3A_7, %dma_start3A] : memref<79x128xi32, #tpu.memory_space<vmem>> -> memref<1x128xi32, #tpu.memory_space<vmem>>
      %dma_start3A_9 = tpu.memref_squeeze %dma_start3A_8 : memref<1x128xi32, #tpu.memory_space<vmem>> -> memref<128xi32, #tpu.memory_space<vmem>>
      %dma_start3A_10 = arith.constant 0 : i32
      %dma_start3A_11 = arith.constant 0 : i32
      %dma_start3A_12 = tpu.memref_slice %arg2[%dma_start3A_10, %dma_start3A_11] : memref<80128x144xf32, #tpu.memory_space<hbm>> -> memref<80128x144xf32, #tpu.memory_space<hbm>>
      tpu.enqueue_indirect_dma source(%dma_start3A_12 : memref<80128x144xf32, #tpu.memory_space<hbm>>) target(%arg9 : memref<128x144xf32, #tpu.memory_space<vmem>>) offsets(%dma_start3A_9 : memref<128xi32, #tpu.memory_space<vmem>>) semaphore(%arg11 : memref<!tpu.dma_semaphore, #tpu.memory_space<semaphore_mem>>)
      %dma_wait3A = arith.constant 0 : i32
      %dma_wait3A_13 = tpu.memref_slice %arg7[%scan3A_7, %dma_wait3A] : memref<79x128xi32, #tpu.memory_space<vmem>> -> memref<1x128xi32, #tpu.memory_space<vmem>>
      %dma_wait3A_14 = tpu.memref_squeeze %dma_wait3A_13 : memref<1x128xi32, #tpu.memory_space<vmem>> -> memref<128xi32, #tpu.memory_space<vmem>>
      %dma_wait3A_15 = arith.constant 0 : i32
      %dma_wait3A_16 = arith.constant 0 : i32
      %dma_wait3A_17 = tpu.memref_slice %arg2[%dma_wait3A_15, %dma_wait3A_16] : memref<80128x144xf32, #tpu.memory_space<hbm>> -> memref<80128x144xf32, #tpu.memory_space<hbm>>
      tpu.wait_indirect_dma semaphore(%arg11 : memref<!tpu.dma_semaphore, #tpu.memory_space<semaphore_mem>>) src(%dma_wait3A_17 : memref<80128x144xf32, #tpu.memory_space<hbm>>) dst(%arg9 : memref<128x144xf32, #tpu.memory_space<vmem>>)
      "tpu.region"() ({
        %run_scoped3A = tpu.sem_alloc : memref<!tpu.dma_semaphore, #tpu.memory_space<semaphore_mem>>
        %dma_start3A_18 = arith.constant 0 : i32
        %dma_start3A_19 = tpu.memref_slice %arg8[%scan3A_7, %dma_start3A_18] : memref<79x128xi32, #tpu.memory_space<vmem>> -> memref<1x128xi32, #tpu.memory_space<vmem>>
        %dma_start3A_20 = tpu.memref_squeeze %dma_start3A_19 : memref<1x128xi32, #tpu.memory_space<vmem>> -> memref<128xi32, #tpu.memory_space<vmem>>
        %dma_start3A_21 = arith.constant 0 : i32
        %dma_start3A_22 = arith.constant 0 : i32
        %dma_start3A_23 = tpu.memref_slice %arg10[%dma_start3A_21, %dma_start3A_22] : memref<10016x144xf32, #tpu.memory_space<vmem_shared>> -> memref<10016x144xf32, #tpu.memory_space<vmem_shared>>
        tpu.enqueue_indirect_dma source(%arg9 : memref<128x144xf32, #tpu.memory_space<vmem>>) target(%dma_start3A_23 : memref<10016x144xf32, #tpu.memory_space<vmem_shared>>) offsets(%dma_start3A_20 : memref<128xi32, #tpu.memory_space<vmem>>) semaphore(%run_scoped3A : memref<!tpu.dma_semaphore, #tpu.memory_space<semaphore_mem>>) {add = true}
        %dma_wait3A_24 = arith.constant 0 : i32
        %dma_wait3A_25 = tpu.memref_slice %arg8[%scan3A_7, %dma_wait3A_24] : memref<79x128xi32, #tpu.memory_space<vmem>> -> memref<1x128xi32, #tpu.memory_space<vmem>>
        %dma_wait3A_26 = tpu.memref_squeeze %dma_wait3A_25 : memref<1x128xi32, #tpu.memory_space<vmem>> -> memref<128xi32, #tpu.memory_space<vmem>>
        %dma_wait3A_27 = arith.constant 0 : i32
        %dma_wait3A_28 = arith.constant 0 : i32
        %dma_wait3A_29 = tpu.memref_slice %arg10[%dma_wait3A_27, %dma_wait3A_28] : memref<10016x144xf32, #tpu.memory_space<vmem_shared>> -> memref<10016x144xf32, #tpu.memory_space<vmem_shared>>
        tpu.wait_indirect_dma semaphore(%run_scoped3A : memref<!tpu.dma_semaphore, #tpu.memory_space<semaphore_mem>>) src(%arg9 : memref<128x144xf32, #tpu.memory_space<vmem>>) dst(%dma_wait3A_29 : memref<10016x144xf32, #tpu.memory_space<vmem_shared>>)
        tpu.yield
      }) : () -> ()
    }
    %scan3A_5 = arith.constant 79 : i32
    %barrier3A_6 = arith.constant 0 : index
    tpu.barrier barrier_id(%barrier3A_6)
    "tpu.region"() ({
      %run_scoped3A = tpu.sem_alloc : memref<!tpu.dma_semaphore, #tpu.memory_space<semaphore_mem>>
      %dma_start3A = arith.constant 0 : i32
      %dma_start3A_7 = tpu.memref_slice %arg6[%arg0, %mul3A_0, %dma_start3A] : memref<2x10016x144xf32, #tpu.memory_space<hbm>> -> memref<1x626x144xf32, #tpu.memory_space<hbm>>
      %dma_start3A_8 = tpu.memref_squeeze %dma_start3A_7 : memref<1x626x144xf32, #tpu.memory_space<hbm>> -> memref<626x144xf32, #tpu.memory_space<hbm>>
      %dma_start3A_9 = arith.constant 0 : i32
      %dma_start3A_10 = tpu.memref_slice %arg10[%mul3A_0, %dma_start3A_9] : memref<10016x144xf32, #tpu.memory_space<vmem_shared>> -> memref<626x144xf32, #tpu.memory_space<vmem_shared>>
      tpu.enqueue_dma source(%dma_start3A_10 : memref<626x144xf32, #tpu.memory_space<vmem_shared>>) target(%dma_start3A_8 : memref<626x144xf32, #tpu.memory_space<hbm>>) target_semaphore(%run_scoped3A : memref<!tpu.dma_semaphore, #tpu.memory_space<semaphore_mem>>)
      %dma_wait3A = arith.constant 0 : i32
      %dma_wait3A_11 = tpu.memref_slice %arg6[%arg0, %mul3A_0, %dma_wait3A] : memref<2x10016x144xf32, #tpu.memory_space<hbm>> -> memref<1x626x144xf32, #tpu.memory_space<hbm>>
      %dma_wait3A_12 = tpu.memref_squeeze %dma_wait3A_11 : memref<1x626x144xf32, #tpu.memory_space<hbm>> -> memref<626x144xf32, #tpu.memory_space<hbm>>
      %dma_wait3A_13 = arith.constant 0 : i32
      %dma_wait3A_14 = tpu.memref_slice %arg10[%mul3A_0, %dma_wait3A_13] : memref<10016x144xf32, #tpu.memory_space<vmem_shared>> -> memref<626x144xf32, #tpu.memory_space<vmem_shared>>
      tpu.wait_dma2 semaphore(%run_scoped3A : memref<!tpu.dma_semaphore, #tpu.memory_space<semaphore_mem>>) src(%dma_wait3A_14 : memref<626x144xf32, #tpu.memory_space<vmem_shared>>) dst(%dma_wait3A_12 : memref<626x144xf32, #tpu.memory_space<hbm>>)
      tpu.yield
    }) : () -> ()
    return
  }
}

module attributes {stable_mosaic.version = 14 : i64} {
  func.func @_a1_body(%arg0: i32, %arg1: memref<10016x128xf32, #tpu.memory_space<vmem>>, %arg2: memref<128x128xf32, #tpu.memory_space<vmem>>, %arg3: memref<128x128xf32, #tpu.memory_space<vmem>>, %arg4: memref<8xf32, #tpu.memory_space<smem>>, %arg5: memref<1x10016x144xf32, #tpu.memory_space<vmem>>, %arg6: memref<10016x128xf32, #tpu.memory_space<vmem>>) attributes {dimension_semantics = [#tpu.dimension_semantics<arbitrary>], iteration_bounds = array<i64: 8>, scalar_prefetch = 0 : i64, scratch_operands = 0 : i64, tpu.core_type = #tpu.core_type<tc>, window_params = [{pipeline_mode = #tpu.pipeline_mode<synchronous>, transform_indices = @transform_0, window_bounds = array<i64: 10016, 128>}, {pipeline_mode = #tpu.pipeline_mode<synchronous>, transform_indices = @transform_1, window_bounds = array<i64: 128, 128>}, {pipeline_mode = #tpu.pipeline_mode<synchronous>, transform_indices = @transform_2, window_bounds = array<i64: 128, 128>}, {transform_indices = @transform_3, window_bounds = array<i64: 8>}, {transform_indices = @transform_4, window_bounds = array<i64: 1, 10016, 144>}, {pipeline_mode = #tpu.pipeline_mode<synchronous>, transform_indices = @transform_5, window_bounds = array<i64: 10016, 128>}]} {
    %get3A = arith.constant 0 : index
    %get3A_0 = arith.constant 0 : index
    %get3A_1 = vector.load %arg1[%get3A, %get3A_0] : memref<10016x128xf32, #tpu.memory_space<vmem>>, vector<10016x128xf32>
    %get3A_2 = arith.constant 0 : index
    %get3A_3 = arith.constant 0 : index
    %get3A_4 = vector.load %arg2[%get3A_2, %get3A_3] : memref<128x128xf32, #tpu.memory_space<vmem>>, vector<128x128xf32>
    %dot_general3A = arith.constant dense<0.000000e+00> : vector<10016x128xf32>
    %dot_general3A_5 = tpu.matmul %get3A_1, %get3A_4, %dot_general3A {dimension_numbers = #tpu.dot_dimension_numbers<[1], [0], [0], [1], [0, 0, 1, 1], [], []>, transpose_lhs_hint = false} : vector<10016x128xf32>, vector<128x128xf32>, vector<10016x128xf32> -> vector<10016x128xf32>
    %jit3A = arith.constant 8 : i32
    %eq3A = arith.constant 0 : i32
    %eq3A_6 = arith.cmpi eq, %jit3A, %eq3A : i32
    %jit3A_7 = arith.constant 1 : i32
    %select_n3A = arith.select %eq3A_6, %jit3A_7, %jit3A : i32
    %rem3A = arith.remsi %arg0, %select_n3A : i32
    %ne3A = arith.constant 0 : i32
    %ne3A_8 = arith.cmpi ne, %rem3A, %ne3A : i32
    %lt3A = arith.constant 0 : i32
    %lt3A_9 = arith.cmpi slt, %rem3A, %lt3A : i32
    %lt3A_10 = arith.constant 0 : i32
    %lt3A_11 = arith.cmpi slt, %select_n3A, %lt3A_10 : i32
    %ne3A_12 = arith.xori %lt3A_9, %lt3A_11 : i1
    %and3A = arith.andi %ne3A_12, %ne3A_8 : i1
    %add3A = arith.addi %rem3A, %select_n3A : i32
    %select_n3A_13 = arith.select %and3A, %add3A, %rem3A : i32
    %get3A_14 = arith.index_cast %select_n3A_13 : i32 to index
    %get3A_15 = memref.load %arg4[%get3A_14] : memref<8xf32, #tpu.memory_space<smem>>
    %mul3A = vector.broadcast %get3A_15 : f32 to vector<10016x128xf32>
    %mul3A_16 = arith.mulf %dot_general3A_5, %mul3A : vector<10016x128xf32>
    %swap3A = arith.constant 0 : index
    %swap3A_17 = arith.constant 0 : index
    %swap3A_18 = arith.constant 0 : index
    %swap3A_19 = vector.load %arg5[%swap3A, %swap3A_17, %swap3A_18] : memref<1x10016x144xf32, #tpu.memory_space<vmem>>, vector<1x10016x128xf32>
    %swap3A_20 = vector.shape_cast %swap3A_19 : vector<1x10016x128xf32> to vector<10016x128xf32>
    %swap3A_21 = vector.shape_cast %mul3A_16 : vector<10016x128xf32> to vector<1x10016x128xf32>
    tpu.vector_store %arg5[%swap3A, %swap3A_17, %swap3A_18], %swap3A_21 {strides = array<i32>} : memref<1x10016x144xf32, #tpu.memory_space<vmem>>, vector<1x10016x128xf32>,
    %iota3A = tpu.iota {dimensions = array<i32: 0>} : vector<10016x16xi32>
    %iota3A_22 = tpu.iota {dimensions = array<i32: 1>} : vector<10016x16xi32>
    %eq3A_23 = arith.constant 0 : i32
    %eq3A_24 = vector.broadcast %eq3A_23 : i32 to vector<10016x16xi32>
    %eq3A_25 = arith.cmpi eq, %iota3A_22, %eq3A_24 : vector<10016x16xi32>
    %lt3A_26 = arith.constant 10000 : i32
    %lt3A_27 = vector.broadcast %lt3A_26 : i32 to vector<10016x16xi32>
    %lt3A_28 = arith.cmpi slt, %iota3A, %lt3A_27 : vector<10016x16xi32>
    %and3A_29 = arith.andi %eq3A_25, %lt3A_28 : vector<10016x16xi1>
    %jit3A_30 = arith.constant 1.000000e+00 : f32
    %jit3A_31 = arith.constant 0.000000e+00 : f32
    %broadcast_in_dim3A = vector.broadcast %jit3A_30 : f32 to vector<10016x16xf32>
    %broadcast_in_dim3A_32 = vector.broadcast %jit3A_31 : f32 to vector<10016x16xf32>
    %select_n3A_33 = arith.select %and3A_29, %broadcast_in_dim3A, %broadcast_in_dim3A_32 : vector<10016x16xi1>, vector<10016x16xf32>
    %swap3A_34 = arith.constant 0 : index
    %swap3A_35 = arith.constant 0 : index
    %swap3A_36 = arith.constant 128 : index
    %swap3A_37 = vector.load %arg5[%swap3A_34, %swap3A_35, %swap3A_36] : memref<1x10016x144xf32, #tpu.memory_space<vmem>>, vector<1x10016x16xf32>
    %swap3A_38 = vector.shape_cast %swap3A_37 : vector<1x10016x16xf32> to vector<10016x16xf32>
    %swap3A_39 = vector.shape_cast %select_n3A_33 : vector<10016x16xf32> to vector<1x10016x16xf32>
    tpu.vector_store %arg5[%swap3A_34, %swap3A_35, %swap3A_36], %swap3A_39 {strides = array<i32>} : memref<1x10016x144xf32, #tpu.memory_space<vmem>>, vector<1x10016x16xf32>,
    %eq3A_40 = arith.constant 0 : i32
    %eq3A_41 = arith.cmpi eq, %arg0, %eq3A_40 : i32
    %convert_element_type3A = arith.extui %eq3A_41 : i1 to i32
    %cond3A = arith.constant 0 : i32
    %cond3A_42 = arith.cmpi ne, %convert_element_type3A, %cond3A : i32
    scf.if %cond3A_42 {
      %get3A_43 = arith.constant 0 : index
      %get3A_44 = arith.constant 0 : index
      %get3A_45 = vector.load %arg1[%get3A_43, %get3A_44] : memref<10016x128xf32, #tpu.memory_space<vmem>>, vector<10016x128xf32>
      %get3A_46 = arith.constant 0 : index
      %get3A_47 = arith.constant 0 : index
      %get3A_48 = vector.load %arg3[%get3A_46, %get3A_47] : memref<128x128xf32, #tpu.memory_space<vmem>>, vector<128x128xf32>
      %dot_general3A_49 = arith.constant dense<0.000000e+00> : vector<10016x128xf32>
      %dot_general3A_50 = tpu.matmul %get3A_45, %get3A_48, %dot_general3A_49 {dimension_numbers = #tpu.dot_dimension_numbers<[1], [0], [0], [1], [0, 0, 1, 1], [], []>, transpose_lhs_hint = false} : vector<10016x128xf32>, vector<128x128xf32>, vector<10016x128xf32> -> vector<10016x128xf32>
      %swap3A_51 = arith.constant 0 : index
      %swap3A_52 = arith.constant 0 : index
      %swap3A_53 = vector.load %arg6[%swap3A_51, %swap3A_52] : memref<10016x128xf32, #tpu.memory_space<vmem>>, vector<10016x128xf32>
      tpu.vector_store %arg6[%swap3A_51, %swap3A_52], %dot_general3A_50 {strides = array<i32>} : memref<10016x128xf32, #tpu.memory_space<vmem>>, vector<10016x128xf32>,
    } else {
    }
    return
  }
  func.func @transform_0(%arg0: i32) -> (i32, i32) {
    %c0_i32 = arith.constant 0 : i32
    %c0_i32_0 = arith.constant 0 : i32
    %c0_i32_1 = arith.constant 0 : i32
    return %c0_i32, %c0_i32_0 : i32, i32
  }
  func.func @transform_1(%arg0: i32) -> (i32, i32) {
    %c0_i32 = arith.constant 0 : i32
    %c0_i32_0 = arith.constant 0 : i32
    %c0_i32_1 = arith.constant 0 : i32
    return %c0_i32, %c0_i32_0 : i32, i32
  }
  func.func @transform_2(%arg0: i32) -> (i32, i32) {
    %c0_i32 = arith.constant 0 : i32
    %c0_i32_0 = arith.constant 0 : i32
    %c0_i32_1 = arith.constant 0 : i32
    return %c0_i32, %c0_i32_0 : i32, i32
  }
  func.func @transform_3(%arg0: i32) -> i32 {
    %c0_i32 = arith.constant 0 : i32
    %c0_i32_0 = arith.constant 0 : i32
    return %c0_i32 : i32
  }
  func.func @transform_4(%arg0: i32) -> (i32, i32, i32) {
    %c0_i32 = arith.constant 0 : i32
    %c0_i32_0 = arith.constant 0 : i32
    %c0_i32_1 = arith.constant 0 : i32
    return %arg0, %c0_i32, %c0_i32_0 : i32, i32, i32
  }
  func.func @transform_5(%arg0: i32) -> (i32, i32) {
    %c0_i32 = arith.constant 0 : i32
    %c0_i32_0 = arith.constant 0 : i32
    %c0_i32_1 = arith.constant 0 : i32
    return %c0_i32, %c0_i32_0 : i32, i32
  }
}

module attributes {stable_mosaic.version = 14 : i64} {
  func.func @_a2_body(%arg0: i32, %arg1: memref<2000x128xf32, #tpu.memory_space<vmem>>, %arg2: memref<2000x1xi32, #tpu.memory_space<vmem>>, %arg3: memref<128x128xf32, #tpu.memory_space<vmem>>, %arg4: memref<512x128xf32, #tpu.memory_space<vmem>>, %arg5: memref<512x128xf32, #tpu.memory_space<vmem>>, %arg6: memref<512x1xf32, #tpu.memory_space<vmem>>) attributes {dimension_semantics = [#tpu.dimension_semantics<arbitrary>], iteration_bounds = array<i64: 10>, scalar_prefetch = 0 : i64, scratch_operands = 2 : i64, tpu.core_type = #tpu.core_type<tc>, window_params = [{transform_indices = @transform_0, window_bounds = array<i64: 2000, 128>}, {transform_indices = @transform_1, window_bounds = array<i64: 2000, 1>}, {pipeline_mode = #tpu.pipeline_mode<synchronous>, transform_indices = @transform_2, window_bounds = array<i64: 128, 128>}, {pipeline_mode = #tpu.pipeline_mode<synchronous>, transform_indices = @transform_3, window_bounds = array<i64: 512, 128>}]} {
    %eq3A = arith.constant 0 : i32
    %eq3A_0 = arith.cmpi eq, %arg0, %eq3A : i32
    %convert_element_type3A = arith.extui %eq3A_0 : i1 to i32
    %cond3A = arith.constant 0 : i32
    %cond3A_1 = arith.cmpi ne, %convert_element_type3A, %cond3A : i32
    scf.if %cond3A_1 {
      %broadcast_in_dim3A_33 = arith.constant 0.000000e+00 : f32
      %broadcast_in_dim3A_34 = vector.broadcast %broadcast_in_dim3A_33 : f32 to vector<512x128xf32>
      %swap3A_35 = arith.constant 0 : index
      %swap3A_36 = arith.constant 0 : index
      %swap3A_37 = vector.load %arg5[%swap3A_35, %swap3A_36] : memref<512x128xf32, #tpu.memory_space<vmem>>, vector<512x128xf32>
      tpu.vector_store %arg5[%swap3A_35, %swap3A_36], %broadcast_in_dim3A_34 {strides = array<i32>} : memref<512x128xf32, #tpu.memory_space<vmem>>, vector<512x128xf32>,
      %broadcast_in_dim3A_38 = arith.constant 0.000000e+00 : f32
      %broadcast_in_dim3A_39 = vector.broadcast %broadcast_in_dim3A_38 : f32 to vector<512x1xf32>
      %swap3A_40 = arith.constant 0 : index
      %swap3A_41 = arith.constant 0 : index
      %swap3A_42 = vector.load %arg6[%swap3A_40, %swap3A_41] : memref<512x1xf32, #tpu.memory_space<vmem>>, vector<512x1xf32>
      tpu.vector_store %arg6[%swap3A_40, %swap3A_41], %broadcast_in_dim3A_39 {strides = array<i32>} : memref<512x1xf32, #tpu.memory_space<vmem>>, vector<512x1xf32>,
    } else {
    }
    %get3A = arith.constant 0 : index
    %get3A_2 = arith.constant 0 : index
    %get3A_3 = vector.load %arg2[%get3A, %get3A_2] : memref<2000x1xi32, #tpu.memory_space<vmem>>, vector<2000x1xi32>
    %iota3A = tpu.iota {dimensions = array<i32: 1>} : vector<1x512xi32>
    %eq3A_4 = vector.broadcast %get3A_3 : vector<2000x1xi32> to vector<2000x512xi32>
    %eq3A_5 = vector.broadcast %iota3A : vector<1x512xi32> to vector<2000x512xi32>
    %eq3A_6 = arith.cmpi eq, %eq3A_4, %eq3A_5 : vector<2000x512xi32>
    %convert_element_type3A_7 = arith.extui %eq3A_6 : vector<2000x512xi1> to vector<2000x512xi32>
    %convert_element_type3A_8 = arith.sitofp %convert_element_type3A_7 : vector<2000x512xi32> to vector<2000x512xf32>
    %get3A_9 = arith.constant 0 : index
    %get3A_10 = arith.constant 0 : index
    %get3A_11 = vector.load %arg5[%get3A_9, %get3A_10] : memref<512x128xf32, #tpu.memory_space<vmem>>, vector<512x128xf32>
    %get3A_12 = arith.constant 0 : index
    %get3A_13 = arith.constant 0 : index
    %get3A_14 = vector.load %arg1[%get3A_12, %get3A_13] : memref<2000x128xf32, #tpu.memory_space<vmem>>, vector<2000x128xf32>
    %dot_general3A = arith.constant dense<0.000000e+00> : vector<512x128xf32>
    %dot_general3A_15 = tpu.matmul %convert_element_type3A_8, %get3A_14, %dot_general3A {dimension_numbers = #tpu.dot_dimension_numbers<[0], [0], [1], [1], [0, 1, 1, 1], [], []>, transpose_lhs_hint = false} : vector<2000x512xf32>, vector<2000x128xf32>, vector<512x128xf32> -> vector<512x128xf32>
    %add3A = arith.addf %get3A_11, %dot_general3A_15 : vector<512x128xf32>
    %swap3A = arith.constant 0 : index
    %swap3A_16 = arith.constant 0 : index
    %swap3A_17 = vector.load %arg5[%swap3A, %swap3A_16] : memref<512x128xf32, #tpu.memory_space<vmem>>, vector<512x128xf32>
    tpu.vector_store %arg5[%swap3A, %swap3A_16], %add3A {strides = array<i32>} : memref<512x128xf32, #tpu.memory_space<vmem>>, vector<512x128xf32>,
    %get3A_18 = arith.constant 0 : index
    %get3A_19 = arith.constant 0 : index
    %get3A_20 = vector.load %arg6[%get3A_18, %get3A_19] : memref<512x1xf32, #tpu.memory_space<vmem>>, vector<512x1xf32>
    %broadcast_in_dim3A = arith.constant 1.000000e+00 : f32
    %broadcast_in_dim3A_21 = vector.broadcast %broadcast_in_dim3A : f32 to vector<2000x1xf32>
    %dot_general3A_22 = arith.constant dense<0.000000e+00> : vector<512x1xf32>
    %dot_general3A_23 = tpu.matmul %convert_element_type3A_8, %broadcast_in_dim3A_21, %dot_general3A_22 {dimension_numbers = #tpu.dot_dimension_numbers<[0], [0], [1], [1], [0, 1, 1, 1], [], []>, transpose_lhs_hint = false} : vector<2000x512xf32>, vector<2000x1xf32>, vector<512x1xf32> -> vector<512x1xf32>
    %add3A_24 = arith.addf %get3A_20, %dot_general3A_23 : vector<512x1xf32>
    %swap3A_25 = arith.constant 0 : index
    %swap3A_26 = arith.constant 0 : index
    %swap3A_27 = vector.load %arg6[%swap3A_25, %swap3A_26] : memref<512x1xf32, #tpu.memory_space<vmem>>, vector<512x1xf32>
    tpu.vector_store %arg6[%swap3A_25, %swap3A_26], %add3A_24 {strides = array<i32>} : memref<512x1xf32, #tpu.memory_space<vmem>>, vector<512x1xf32>,
    %eq3A_28 = arith.constant 9 : i32
    %eq3A_29 = arith.cmpi eq, %arg0, %eq3A_28 : i32
    %convert_element_type3A_30 = arith.extui %eq3A_29 : i1 to i32
    %cond3A_31 = arith.constant 0 : i32
    %cond3A_32 = arith.cmpi ne, %convert_element_type3A_30, %cond3A_31 : i32
    scf.if %cond3A_32 {
      %get3A_33 = arith.constant 0 : index
      %get3A_34 = arith.constant 0 : index
      %get3A_35 = vector.load %arg5[%get3A_33, %get3A_34] : memref<512x128xf32, #tpu.memory_space<vmem>>, vector<512x128xf32>
      %get3A_36 = arith.constant 0 : index
      %get3A_37 = arith.constant 0 : index
      %get3A_38 = vector.load %arg6[%get3A_36, %get3A_37] : memref<512x1xf32, #tpu.memory_space<vmem>>, vector<512x1xf32>
      %max3A = arith.constant 1.000000e+00 : f32
      %max3A_39 = vector.broadcast %max3A : f32 to vector<512x1xf32>
      %max3A_40 = arith.maximumf %get3A_38, %max3A_39 : vector<512x1xf32>
      %div3A = vector.broadcast %max3A_40 : vector<512x1xf32> to vector<512x128xf32>
      %div3A_41 = arith.divf %get3A_35, %div3A : vector<512x128xf32>
      %get3A_42 = arith.constant 0 : index
      %get3A_43 = arith.constant 0 : index
      %get3A_44 = vector.load %arg3[%get3A_42, %get3A_43] : memref<128x128xf32, #tpu.memory_space<vmem>>, vector<128x128xf32>
      %dot_general3A_45 = arith.constant dense<0.000000e+00> : vector<512x128xf32>
      %dot_general3A_46 = tpu.matmul %div3A_41, %get3A_44, %dot_general3A_45 {dimension_numbers = #tpu.dot_dimension_numbers<[1], [0], [0], [1], [0, 0, 1, 1], [], []>, transpose_lhs_hint = false} : vector<512x128xf32>, vector<128x128xf32>, vector<512x128xf32> -> vector<512x128xf32>
      %swap3A_47 = arith.constant 0 : index
      %swap3A_48 = arith.constant 0 : index
      %swap3A_49 = vector.load %arg4[%swap3A_47, %swap3A_48] : memref<512x128xf32, #tpu.memory_space<vmem>>, vector<512x128xf32>
      tpu.vector_store %arg4[%swap3A_47, %swap3A_48], %dot_general3A_46 {strides = array<i32>} : memref<512x128xf32, #tpu.memory_space<vmem>>, vector<512x128xf32>,
    } else {
    }
    return
  }
  func.func @transform_0(%arg0: i32) -> (i32, i32) {
    %c0_i32 = arith.constant 0 : i32
    %c0_i32_0 = arith.constant 0 : i32
    return %arg0, %c0_i32 : i32, i32
  }
  func.func @transform_1(%arg0: i32) -> (i32, i32) {
    %c0_i32 = arith.constant 0 : i32
    %c0_i32_0 = arith.constant 0 : i32
    return %arg0, %c0_i32 : i32, i32
  }
  func.func @transform_2(%arg0: i32) -> (i32, i32) {
    %c0_i32 = arith.constant 0 : i32
    %c0_i32_0 = arith.constant 0 : i32
    %c0_i32_1 = arith.constant 0 : i32
    return %c0_i32, %c0_i32_0 : i32, i32
  }
  func.func @transform_3(%arg0: i32) -> (i32, i32) {
    %c0_i32 = arith.constant 0 : i32
    %c0_i32_0 = arith.constant 0 : i32
    %c0_i32_1 = arith.constant 0 : i32
    return %c0_i32, %c0_i32_0 : i32, i32
  }
}

module attributes {stable_mosaic.version = 14 : i64} {
  func.func @_c_body(%arg0: memref<2x10016x144xf32, #tpu.memory_space<vmem>>, %arg1: memref<10016x128xf32, #tpu.memory_space<vmem>>, %arg2: memref<10000x1xi32, #tpu.memory_space<vmem>>, %arg3: memref<512x128xf32, #tpu.memory_space<vmem>>, %arg4: memref<128x128xf32, #tpu.memory_space<vmem>>, %arg5: memref<128x128xf32, #tpu.memory_space<vmem>>, %arg6: memref<10000x128xf32, #tpu.memory_space<vmem>>, %arg7: memref<10000x1xf32, #tpu.memory_space<vmem>>, %arg8: memref<1250x8xf32, #tpu.memory_space<vmem>>, %arg9: memref<1250x8xf32, #tpu.memory_space<vmem>>, %arg10: memref<1x512xf32, #tpu.memory_space<vmem>>, %arg11: memref<1x512xf32, #tpu.memory_space<vmem>>) attributes {dimension_semantics = [], scalar_prefetch = 0 : i64, scratch_operands = 4 : i64, tpu.core_type = #tpu.core_type<tc>} {
    %get3A = arith.constant 0 : index
    %get3A_0 = arith.constant 0 : index
    %get3A_1 = vector.load %arg3[%get3A, %get3A_0] : memref<512x128xf32, #tpu.memory_space<vmem>>, vector<512x128xf32>
    %get3A_2 = arith.constant 0 : index
    %get3A_3 = arith.constant 0 : index
    %get3A_4 = vector.load %arg4[%get3A_2, %get3A_3] : memref<128x128xf32, #tpu.memory_space<vmem>>, vector<128x128xf32>
    %get3A_5 = arith.constant 0 : index
    %get3A_6 = arith.constant 0 : index
    %get3A_7 = vector.load %arg5[%get3A_5, %get3A_6] : memref<128x128xf32, #tpu.memory_space<vmem>>, vector<128x128xf32>
    %iota3A = tpu.iota {dimensions = array<i32: 1>} : vector<1x512xi32>
    %get3A_8 = arith.constant 0 : index
    %get3A_9 = arith.constant 0 : index
    %get3A_10 = vector.load %arg2[%get3A_8, %get3A_9] : memref<10000x1xi32, #tpu.memory_space<vmem>>, vector<1250x1xi32>
    %eq3A = vector.broadcast %get3A_10 : vector<1250x1xi32> to vector<1250x512xi32>
    %eq3A_11 = vector.broadcast %iota3A : vector<1x512xi32> to vector<1250x512xi32>
    %eq3A_12 = arith.cmpi eq, %eq3A, %eq3A_11 : vector<1250x512xi32>
    %get3A_13 = arith.constant 0 : index
    %get3A_14 = arith.constant 0 : index
    %get3A_15 = arith.constant 0 : index
    %get3A_16 = vector.load %arg0[%get3A_13, %get3A_14, %get3A_15] : memref<2x10016x144xf32, #tpu.memory_space<vmem>>, vector<1x1250x144xf32>
    %get3A_17 = vector.shape_cast %get3A_16 : vector<1x1250x144xf32> to vector<1250x144xf32>
    %get3A_18 = arith.constant 1 : index
    %get3A_19 = arith.constant 0 : index
    %get3A_20 = arith.constant 0 : index
    %get3A_21 = vector.load %arg0[%get3A_18, %get3A_19, %get3A_20] : memref<2x10016x144xf32, #tpu.memory_space<vmem>>, vector<1x1250x144xf32>
    %get3A_22 = vector.shape_cast %get3A_21 : vector<1x1250x144xf32> to vector<1250x144xf32>
    %slice3A = vector.extract_strided_slice %get3A_17 {offsets = [0, 0], sizes = [1250, 128], strides = [1, 1]} : vector<1250x144xf32> to vector<1250x128xf32>
    %slice3A_23 = vector.extract_strided_slice %get3A_22 {offsets = [0, 0], sizes = [1250, 128], strides = [1, 1]} : vector<1250x144xf32> to vector<1250x128xf32>
    %add3A = arith.addf %slice3A, %slice3A_23 : vector<1250x128xf32>
    %slice3A_24 = vector.extract_strided_slice %get3A_17 {offsets = [0, 128], sizes = [1250, 1], strides = [1, 1]} : vector<1250x144xf32> to vector<1250x1xf32>
    %slice3A_25 = vector.extract_strided_slice %get3A_22 {offsets = [0, 128], sizes = [1250, 1], strides = [1, 1]} : vector<1250x144xf32> to vector<1250x1xf32>
    %add3A_26 = arith.addf %slice3A_24, %slice3A_25 : vector<1250x1xf32>
    %max3A = arith.constant 1.000000e+00 : f32
    %max3A_27 = vector.broadcast %max3A : f32 to vector<1250x1xf32>
    %max3A_28 = arith.maximumf %add3A_26, %max3A_27 : vector<1250x1xf32>
    %div3A = vector.broadcast %max3A_28 : vector<1250x1xf32> to vector<1250x128xf32>
    %div3A_29 = arith.divf %add3A, %div3A : vector<1250x128xf32>
    %get3A_30 = arith.constant 0 : index
    %get3A_31 = arith.constant 0 : index
    %get3A_32 = vector.load %arg1[%get3A_30, %get3A_31] : memref<10016x128xf32, #tpu.memory_space<vmem>>, vector<1250x128xf32>
    %add3A_33 = arith.addf %div3A_29, %get3A_32 : vector<1250x128xf32>
    %dot_general3A = arith.constant dense<0.000000e+00> : vector<1250x128xf32>
    %dot_general3A_34 = tpu.matmul %add3A_33, %get3A_4, %dot_general3A {dimension_numbers = #tpu.dot_dimension_numbers<[1], [0], [0], [1], [0, 0, 1, 1], [], []>, transpose_lhs_hint = false} : vector<1250x128xf32>, vector<128x128xf32>, vector<1250x128xf32> -> vector<1250x128xf32>
    %convert_element_type3A = arith.extui %eq3A_12 : vector<1250x512xi1> to vector<1250x512xi32>
    %convert_element_type3A_35 = arith.sitofp %convert_element_type3A : vector<1250x512xi32> to vector<1250x512xf32>
    %dot_general3A_36 = arith.constant dense<0.000000e+00> : vector<1250x128xf32>
    %dot_general3A_37 = tpu.matmul %convert_element_type3A_35, %get3A_1, %dot_general3A_36 {dimension_numbers = #tpu.dot_dimension_numbers<[1], [0], [0], [1], [0, 0, 1, 1], [], []>, transpose_lhs_hint = false} : vector<1250x512xf32>, vector<512x128xf32>, vector<1250x128xf32> -> vector<1250x128xf32>
    %mul3A = arith.mulf %dot_general3A_34, %dot_general3A_37 : vector<1250x128xf32>
    %reduce_sum3A = arith.constant dense<0.000000e+00> : vector<1250xf32>
    %reduce_sum3A_38 = vector.multi_reduction <add>, %mul3A, %reduce_sum3A [1] : vector<1250x128xf32> to vector<1250xf32>
    %broadcast_in_dim3A = vector.shape_cast %reduce_sum3A_38 : vector<1250xf32> to vector<1250x1xf32>
    %mul3A_39 = arith.constant 0.0883883461 : f32
    %mul3A_40 = vector.broadcast %mul3A_39 : f32 to vector<1250x1xf32>
    %mul3A_41 = arith.mulf %broadcast_in_dim3A, %mul3A_40 : vector<1250x1xf32>
    %swap3A = arith.constant 0 : index
    %swap3A_42 = arith.constant 0 : index
    %swap3A_43 = vector.load %arg8[%swap3A, %swap3A_42] : memref<1250x8xf32, #tpu.memory_space<vmem>>, vector<1250x1xf32>
    tpu.vector_store %arg8[%swap3A, %swap3A_42], %mul3A_41 {strides = array<i32>} : memref<1250x8xf32, #tpu.memory_space<vmem>>, vector<1250x1xf32>,
    %jit3A = arith.constant -1.000000e+30 : f32
    %broadcast_in_dim3A_44 = vector.shape_cast %mul3A_41 : vector<1250x1xf32> to vector<1250x1xf32>
    %broadcast_in_dim3A_45 = vector.broadcast %broadcast_in_dim3A_44 : vector<1250x1xf32> to vector<1250x512xf32>
    %broadcast_in_dim3A_46 = vector.broadcast %jit3A : f32 to vector<1250x512xf32>
    %select_n3A = arith.select %eq3A_12, %broadcast_in_dim3A_45, %broadcast_in_dim3A_46 : vector<1250x512xi1>, vector<1250x512xf32>
    %reduce_max3A = arith.constant dense<0xFF800000> : vector<512xf32>
    %reduce_max3A_47 = vector.multi_reduction <maximumf>, %select_n3A, %reduce_max3A [0] : vector<1250x512xf32> to vector<512xf32>
    %broadcast_in_dim3A_48 = vector.shape_cast %reduce_max3A_47 : vector<512xf32> to vector<1x512xf32>
    %swap3A_49 = arith.constant 0 : index
    %swap3A_50 = arith.constant 0 : index
    %swap3A_51 = vector.load %arg10[%swap3A_49, %swap3A_50] : memref<1x512xf32, #tpu.memory_space<vmem>>, vector<1x512xf32>
    tpu.vector_store %arg10[%swap3A_49, %swap3A_50], %broadcast_in_dim3A_48 {strides = array<i32>} : memref<1x512xf32, #tpu.memory_space<vmem>>, vector<1x512xf32>,
    %get3A_52 = arith.constant 1250 : index
    %get3A_53 = arith.constant 0 : index
    %get3A_54 = vector.load %arg2[%get3A_52, %get3A_53] : memref<10000x1xi32, #tpu.memory_space<vmem>>, vector<1250x1xi32>
    %eq3A_55 = vector.broadcast %get3A_54 : vector<1250x1xi32> to vector<1250x512xi32>
    %eq3A_56 = vector.broadcast %iota3A : vector<1x512xi32> to vector<1250x512xi32>
    %eq3A_57 = arith.cmpi eq, %eq3A_55, %eq3A_56 : vector<1250x512xi32>
    %get3A_58 = arith.constant 0 : index
    %get3A_59 = arith.constant 1250 : index
    %get3A_60 = arith.constant 0 : index
    %get3A_61 = vector.load %arg0[%get3A_58, %get3A_59, %get3A_60] : memref<2x10016x144xf32, #tpu.memory_space<vmem>>, vector<1x1250x144xf32>
    %get3A_62 = vector.shape_cast %get3A_61 : vector<1x1250x144xf32> to vector<1250x144xf32>
    %get3A_63 = arith.constant 1 : index
    %get3A_64 = arith.constant 1250 : index
    %get3A_65 = arith.constant 0 : index
    %get3A_66 = vector.load %arg0[%get3A_63, %get3A_64, %get3A_65] : memref<2x10016x144xf32, #tpu.memory_space<vmem>>, vector<1x1250x144xf32>
    %get3A_67 = vector.shape_cast %get3A_66 : vector<1x1250x144xf32> to vector<1250x144xf32>
    %slice3A_68 = vector.extract_strided_slice %get3A_62 {offsets = [0, 0], sizes = [1250, 128], strides = [1, 1]} : vector<1250x144xf32> to vector<1250x128xf32>
    %slice3A_69 = vector.extract_strided_slice %get3A_67 {offsets = [0, 0], sizes = [1250, 128], strides = [1, 1]} : vector<1250x144xf32> to vector<1250x128xf32>
    %add3A_70 = arith.addf %slice3A_68, %slice3A_69 : vector<1250x128xf32>
    %slice3A_71 = vector.extract_strided_slice %get3A_62 {offsets = [0, 128], sizes = [1250, 1], strides = [1, 1]} : vector<1250x144xf32> to vector<1250x1xf32>
    %slice3A_72 = vector.extract_strided_slice %get3A_67 {offsets = [0, 128], sizes = [1250, 1], strides = [1, 1]} : vector<1250x144xf32> to vector<1250x1xf32>
    %add3A_73 = arith.addf %slice3A_71, %slice3A_72 : vector<1250x1xf32>
    %max3A_74 = arith.constant 1.000000e+00 : f32
    %max3A_75 = vector.broadcast %max3A_74 : f32 to vector<1250x1xf32>
    %max3A_76 = arith.maximumf %add3A_73, %max3A_75 : vector<1250x1xf32>
    %div3A_77 = vector.broadcast %max3A_76 : vector<1250x1xf32> to vector<1250x128xf32>
    %div3A_78 = arith.divf %add3A_70, %div3A_77 : vector<1250x128xf32>
    %get3A_79 = arith.constant 1250 : index
    %get3A_80 = arith.constant 0 : index
    %get3A_81 = vector.load %arg1[%get3A_79, %get3A_80] : memref<10016x128xf32, #tpu.memory_space<vmem>>, vector<1250x128xf32>
    %add3A_82 = arith.addf %div3A_78, %get3A_81 : vector<1250x128xf32>
    %dot_general3A_83 = arith.constant dense<0.000000e+00> : vector<1250x128xf32>
    %dot_general3A_84 = tpu.matmul %add3A_82, %get3A_4, %dot_general3A_83 {dimension_numbers = #tpu.dot_dimension_numbers<[1], [0], [0], [1], [0, 0, 1, 1], [], []>, transpose_lhs_hint = false} : vector<1250x128xf32>, vector<128x128xf32>, vector<1250x128xf32> -> vector<1250x128xf32>
    %convert_element_type3A_85 = arith.extui %eq3A_57 : vector<1250x512xi1> to vector<1250x512xi32>
    %convert_element_type3A_86 = arith.sitofp %convert_element_type3A_85 : vector<1250x512xi32> to vector<1250x512xf32>
    %dot_general3A_87 = arith.constant dense<0.000000e+00> : vector<1250x128xf32>
    %dot_general3A_88 = tpu.matmul %convert_element_type3A_86, %get3A_1, %dot_general3A_87 {dimension_numbers = #tpu.dot_dimension_numbers<[1], [0], [0], [1], [0, 0, 1, 1], [], []>, transpose_lhs_hint = false} : vector<1250x512xf32>, vector<512x128xf32>, vector<1250x128xf32> -> vector<1250x128xf32>
    %mul3A_89 = arith.mulf %dot_general3A_84, %dot_general3A_88 : vector<1250x128xf32>
    %reduce_sum3A_90 = arith.constant dense<0.000000e+00> : vector<1250xf32>
    %reduce_sum3A_91 = vector.multi_reduction <add>, %mul3A_89, %reduce_sum3A_90 [1] : vector<1250x128xf32> to vector<1250xf32>
    %broadcast_in_dim3A_92 = vector.shape_cast %reduce_sum3A_91 : vector<1250xf32> to vector<1250x1xf32>
    %mul3A_93 = arith.constant 0.0883883461 : f32
    %mul3A_94 = vector.broadcast %mul3A_93 : f32 to vector<1250x1xf32>
    %mul3A_95 = arith.mulf %broadcast_in_dim3A_92, %mul3A_94 : vector<1250x1xf32>
    %swap3A_96 = arith.constant 0 : index
    %swap3A_97 = arith.constant 1 : index
    %swap3A_98 = vector.load %arg8[%swap3A_96, %swap3A_97] : memref<1250x8xf32, #tpu.memory_space<vmem>>, vector<1250x1xf32>
    tpu.vector_store %arg8[%swap3A_96, %swap3A_97], %mul3A_95 {strides = array<i32>} : memref<1250x8xf32, #tpu.memory_space<vmem>>, vector<1250x1xf32>,
    %jit3A_99 = arith.constant -1.000000e+30 : f32
    %broadcast_in_dim3A_100 = vector.shape_cast %mul3A_95 : vector<1250x1xf32> to vector<1250x1xf32>
    %broadcast_in_dim3A_101 = vector.broadcast %broadcast_in_dim3A_100 : vector<1250x1xf32> to vector<1250x512xf32>
    %broadcast_in_dim3A_102 = vector.broadcast %jit3A_99 : f32 to vector<1250x512xf32>
    %select_n3A_103 = arith.select %eq3A_57, %broadcast_in_dim3A_101, %broadcast_in_dim3A_102 : vector<1250x512xi1>, vector<1250x512xf32>
    %reduce_max3A_104 = arith.constant dense<0xFF800000> : vector<512xf32>
    %reduce_max3A_105 = vector.multi_reduction <maximumf>, %select_n3A_103, %reduce_max3A_104 [0] : vector<1250x512xf32> to vector<512xf32>
    %broadcast_in_dim3A_106 = vector.shape_cast %reduce_max3A_105 : vector<512xf32> to vector<1x512xf32>
    %get3A_107 = arith.constant 0 : index
    %get3A_108 = arith.constant 0 : index
    %get3A_109 = vector.load %arg10[%get3A_107, %get3A_108] : memref<1x512xf32, #tpu.memory_space<vmem>>, vector<1x512xf32>
    %max3A_110 = arith.maximumf %get3A_109, %broadcast_in_dim3A_106 : vector<1x512xf32>
    %swap3A_111 = arith.constant 0 : index
    %swap3A_112 = arith.constant 0 : index
    %swap3A_113 = vector.load %arg10[%swap3A_111, %swap3A_112] : memref<1x512xf32, #tpu.memory_space<vmem>>, vector<1x512xf32>
    tpu.vector_store %arg10[%swap3A_111, %swap3A_112], %max3A_110 {strides = array<i32>} : memref<1x512xf32, #tpu.memory_space<vmem>>, vector<1x512xf32>,
    %get3A_114 = arith.constant 2500 : index
    %get3A_115 = arith.constant 0 : index
    %get3A_116 = vector.load %arg2[%get3A_114, %get3A_115] : memref<10000x1xi32, #tpu.memory_space<vmem>>, vector<1250x1xi32>
    %eq3A_117 = vector.broadcast %get3A_116 : vector<1250x1xi32> to vector<1250x512xi32>
    %eq3A_118 = vector.broadcast %iota3A : vector<1x512xi32> to vector<1250x512xi32>
    %eq3A_119 = arith.cmpi eq, %eq3A_117, %eq3A_118 : vector<1250x512xi32>
    %get3A_120 = arith.constant 0 : index
    %get3A_121 = arith.constant 2500 : index
    %get3A_122 = arith.constant 0 : index
    %get3A_123 = vector.load %arg0[%get3A_120, %get3A_121, %get3A_122] : memref<2x10016x144xf32, #tpu.memory_space<vmem>>, vector<1x1250x144xf32>
    %get3A_124 = vector.shape_cast %get3A_123 : vector<1x1250x144xf32> to vector<1250x144xf32>
    %get3A_125 = arith.constant 1 : index
    %get3A_126 = arith.constant 2500 : index
    %get3A_127 = arith.constant 0 : index
    %get3A_128 = vector.load %arg0[%get3A_125, %get3A_126, %get3A_127] : memref<2x10016x144xf32, #tpu.memory_space<vmem>>, vector<1x1250x144xf32>
    %get3A_129 = vector.shape_cast %get3A_128 : vector<1x1250x144xf32> to vector<1250x144xf32>
    %slice3A_130 = vector.extract_strided_slice %get3A_124 {offsets = [0, 0], sizes = [1250, 128], strides = [1, 1]} : vector<1250x144xf32> to vector<1250x128xf32>
    %slice3A_131 = vector.extract_strided_slice %get3A_129 {offsets = [0, 0], sizes = [1250, 128], strides = [1, 1]} : vector<1250x144xf32> to vector<1250x128xf32>
    %add3A_132 = arith.addf %slice3A_130, %slice3A_131 : vector<1250x128xf32>
    %slice3A_133 = vector.extract_strided_slice %get3A_124 {offsets = [0, 128], sizes = [1250, 1], strides = [1, 1]} : vector<1250x144xf32> to vector<1250x1xf32>
    %slice3A_134 = vector.extract_strided_slice %get3A_129 {offsets = [0, 128], sizes = [1250, 1], strides = [1, 1]} : vector<1250x144xf32> to vector<1250x1xf32>
    %add3A_135 = arith.addf %slice3A_133, %slice3A_134 : vector<1250x1xf32>
    %max3A_136 = arith.constant 1.000000e+00 : f32
    %max3A_137 = vector.broadcast %max3A_136 : f32 to vector<1250x1xf32>
    %max3A_138 = arith.maximumf %add3A_135, %max3A_137 : vector<1250x1xf32>
    %div3A_139 = vector.broadcast %max3A_138 : vector<1250x1xf32> to vector<1250x128xf32>
    %div3A_140 = arith.divf %add3A_132, %div3A_139 : vector<1250x128xf32>
    %get3A_141 = arith.constant 2500 : index
    %get3A_142 = arith.constant 0 : index
    %get3A_143 = vector.load %arg1[%get3A_141, %get3A_142] : memref<10016x128xf32, #tpu.memory_space<vmem>>, vector<1250x128xf32>
    %add3A_144 = arith.addf %div3A_140, %get3A_143 : vector<1250x128xf32>
    %dot_general3A_145 = arith.constant dense<0.000000e+00> : vector<1250x128xf32>
    %dot_general3A_146 = tpu.matmul %add3A_144, %get3A_4, %dot_general3A_145 {dimension_numbers = #tpu.dot_dimension_numbers<[1], [0], [0], [1], [0, 0, 1, 1], [], []>, transpose_lhs_hint = false} : vector<1250x128xf32>, vector<128x128xf32>, vector<1250x128xf32> -> vector<1250x128xf32>
    %convert_element_type3A_147 = arith.extui %eq3A_119 : vector<1250x512xi1> to vector<1250x512xi32>
    %convert_element_type3A_148 = arith.sitofp %convert_element_type3A_147 : vector<1250x512xi32> to vector<1250x512xf32>
    %dot_general3A_149 = arith.constant dense<0.000000e+00> : vector<1250x128xf32>
    %dot_general3A_150 = tpu.matmul %convert_element_type3A_148, %get3A_1, %dot_general3A_149 {dimension_numbers = #tpu.dot_dimension_numbers<[1], [0], [0], [1], [0, 0, 1, 1], [], []>, transpose_lhs_hint = false} : vector<1250x512xf32>, vector<512x128xf32>, vector<1250x128xf32> -> vector<1250x128xf32>
    %mul3A_151 = arith.mulf %dot_general3A_146, %dot_general3A_150 : vector<1250x128xf32>
    %reduce_sum3A_152 = arith.constant dense<0.000000e+00> : vector<1250xf32>
    %reduce_sum3A_153 = vector.multi_reduction <add>, %mul3A_151, %reduce_sum3A_152 [1] : vector<1250x128xf32> to vector<1250xf32>
    %broadcast_in_dim3A_154 = vector.shape_cast %reduce_sum3A_153 : vector<1250xf32> to vector<1250x1xf32>
    %mul3A_155 = arith.constant 0.0883883461 : f32
    %mul3A_156 = vector.broadcast %mul3A_155 : f32 to vector<1250x1xf32>
    %mul3A_157 = arith.mulf %broadcast_in_dim3A_154, %mul3A_156 : vector<1250x1xf32>
    %swap3A_158 = arith.constant 0 : index
    %swap3A_159 = arith.constant 2 : index
    %swap3A_160 = vector.load %arg8[%swap3A_158, %swap3A_159] : memref<1250x8xf32, #tpu.memory_space<vmem>>, vector<1250x1xf32>
    tpu.vector_store %arg8[%swap3A_158, %swap3A_159], %mul3A_157 {strides = array<i32>} : memref<1250x8xf32, #tpu.memory_space<vmem>>, vector<1250x1xf32>,
    %jit3A_161 = arith.constant -1.000000e+30 : f32
    %broadcast_in_dim3A_162 = vector.shape_cast %mul3A_157 : vector<1250x1xf32> to vector<1250x1xf32>
    %broadcast_in_dim3A_163 = vector.broadcast %broadcast_in_dim3A_162 : vector<1250x1xf32> to vector<1250x512xf32>
    %broadcast_in_dim3A_164 = vector.broadcast %jit3A_161 : f32 to vector<1250x512xf32>
    %select_n3A_165 = arith.select %eq3A_119, %broadcast_in_dim3A_163, %broadcast_in_dim3A_164 : vector<1250x512xi1>, vector<1250x512xf32>
    %reduce_max3A_166 = arith.constant dense<0xFF800000> : vector<512xf32>
    %reduce_max3A_167 = vector.multi_reduction <maximumf>, %select_n3A_165, %reduce_max3A_166 [0] : vector<1250x512xf32> to vector<512xf32>
    %broadcast_in_dim3A_168 = vector.shape_cast %reduce_max3A_167 : vector<512xf32> to vector<1x512xf32>
    %get3A_169 = arith.constant 0 : index
    %get3A_170 = arith.constant 0 : index
    %get3A_171 = vector.load %arg10[%get3A_169, %get3A_170] : memref<1x512xf32, #tpu.memory_space<vmem>>, vector<1x512xf32>
    %max3A_172 = arith.maximumf %get3A_171, %broadcast_in_dim3A_168 : vector<1x512xf32>
    %swap3A_173 = arith.constant 0 : index
    %swap3A_174 = arith.constant 0 : index
    %swap3A_175 = vector.load %arg10[%swap3A_173, %swap3A_174] : memref<1x512xf32, #tpu.memory_space<vmem>>, vector<1x512xf32>
    tpu.vector_store %arg10[%swap3A_173, %swap3A_174], %max3A_172 {strides = array<i32>} : memref<1x512xf32, #tpu.memory_space<vmem>>, vector<1x512xf32>,
    %get3A_176 = arith.constant 3750 : index
    %get3A_177 = arith.constant 0 : index
    %get3A_178 = vector.load %arg2[%get3A_176, %get3A_177] : memref<10000x1xi32, #tpu.memory_space<vmem>>, vector<1250x1xi32>
    %eq3A_179 = vector.broadcast %get3A_178 : vector<1250x1xi32> to vector<1250x512xi32>
    %eq3A_180 = vector.broadcast %iota3A : vector<1x512xi32> to vector<1250x512xi32>
    %eq3A_181 = arith.cmpi eq, %eq3A_179, %eq3A_180 : vector<1250x512xi32>
    %get3A_182 = arith.constant 0 : index
    %get3A_183 = arith.constant 3750 : index
    %get3A_184 = arith.constant 0 : index
    %get3A_185 = vector.load %arg0[%get3A_182, %get3A_183, %get3A_184] : memref<2x10016x144xf32, #tpu.memory_space<vmem>>, vector<1x1250x144xf32>
    %get3A_186 = vector.shape_cast %get3A_185 : vector<1x1250x144xf32> to vector<1250x144xf32>
    %get3A_187 = arith.constant 1 : index
    %get3A_188 = arith.constant 3750 : index
    %get3A_189 = arith.constant 0 : index
    %get3A_190 = vector.load %arg0[%get3A_187, %get3A_188, %get3A_189] : memref<2x10016x144xf32, #tpu.memory_space<vmem>>, vector<1x1250x144xf32>
    %get3A_191 = vector.shape_cast %get3A_190 : vector<1x1250x144xf32> to vector<1250x144xf32>
    %slice3A_192 = vector.extract_strided_slice %get3A_186 {offsets = [0, 0], sizes = [1250, 128], strides = [1, 1]} : vector<1250x144xf32> to vector<1250x128xf32>
    %slice3A_193 = vector.extract_strided_slice %get3A_191 {offsets = [0, 0], sizes = [1250, 128], strides = [1, 1]} : vector<1250x144xf32> to vector<1250x128xf32>
    %add3A_194 = arith.addf %slice3A_192, %slice3A_193 : vector<1250x128xf32>
    %slice3A_195 = vector.extract_strided_slice %get3A_186 {offsets = [0, 128], sizes = [1250, 1], strides = [1, 1]} : vector<1250x144xf32> to vector<1250x1xf32>
    %slice3A_196 = vector.extract_strided_slice %get3A_191 {offsets = [0, 128], sizes = [1250, 1], strides = [1, 1]} : vector<1250x144xf32> to vector<1250x1xf32>
    %add3A_197 = arith.addf %slice3A_195, %slice3A_196 : vector<1250x1xf32>
    %max3A_198 = arith.constant 1.000000e+00 : f32
    %max3A_199 = vector.broadcast %max3A_198 : f32 to vector<1250x1xf32>
    %max3A_200 = arith.maximumf %add3A_197, %max3A_199 : vector<1250x1xf32>
    %div3A_201 = vector.broadcast %max3A_200 : vector<1250x1xf32> to vector<1250x128xf32>
    %div3A_202 = arith.divf %add3A_194, %div3A_201 : vector<1250x128xf32>
    %get3A_203 = arith.constant 3750 : index
    %get3A_204 = arith.constant 0 : index
    %get3A_205 = vector.load %arg1[%get3A_203, %get3A_204] : memref<10016x128xf32, #tpu.memory_space<vmem>>, vector<1250x128xf32>
    %add3A_206 = arith.addf %div3A_202, %get3A_205 : vector<1250x128xf32>
    %dot_general3A_207 = arith.constant dense<0.000000e+00> : vector<1250x128xf32>
    %dot_general3A_208 = tpu.matmul %add3A_206, %get3A_4, %dot_general3A_207 {dimension_numbers = #tpu.dot_dimension_numbers<[1], [0], [0], [1], [0, 0, 1, 1], [], []>, transpose_lhs_hint = false} : vector<1250x128xf32>, vector<128x128xf32>, vector<1250x128xf32> -> vector<1250x128xf32>
    %convert_element_type3A_209 = arith.extui %eq3A_181 : vector<1250x512xi1> to vector<1250x512xi32>
    %convert_element_type3A_210 = arith.sitofp %convert_element_type3A_209 : vector<1250x512xi32> to vector<1250x512xf32>
    %dot_general3A_211 = arith.constant dense<0.000000e+00> : vector<1250x128xf32>
    %dot_general3A_212 = tpu.matmul %convert_element_type3A_210, %get3A_1, %dot_general3A_211 {dimension_numbers = #tpu.dot_dimension_numbers<[1], [0], [0], [1], [0, 0, 1, 1], [], []>, transpose_lhs_hint = false} : vector<1250x512xf32>, vector<512x128xf32>, vector<1250x128xf32> -> vector<1250x128xf32>
    %mul3A_213 = arith.mulf %dot_general3A_208, %dot_general3A_212 : vector<1250x128xf32>
    %reduce_sum3A_214 = arith.constant dense<0.000000e+00> : vector<1250xf32>
    %reduce_sum3A_215 = vector.multi_reduction <add>, %mul3A_213, %reduce_sum3A_214 [1] : vector<1250x128xf32> to vector<1250xf32>
    %broadcast_in_dim3A_216 = vector.shape_cast %reduce_sum3A_215 : vector<1250xf32> to vector<1250x1xf32>
    %mul3A_217 = arith.constant 0.0883883461 : f32
    %mul3A_218 = vector.broadcast %mul3A_217 : f32 to vector<1250x1xf32>
    %mul3A_219 = arith.mulf %broadcast_in_dim3A_216, %mul3A_218 : vector<1250x1xf32>
    %swap3A_220 = arith.constant 0 : index
    %swap3A_221 = arith.constant 3 : index
    %swap3A_222 = vector.load %arg8[%swap3A_220, %swap3A_221] : memref<1250x8xf32, #tpu.memory_space<vmem>>, vector<1250x1xf32>
    tpu.vector_store %arg8[%swap3A_220, %swap3A_221], %mul3A_219 {strides = array<i32>} : memref<1250x8xf32, #tpu.memory_space<vmem>>, vector<1250x1xf32>,
    %jit3A_223 = arith.constant -1.000000e+30 : f32
    %broadcast_in_dim3A_224 = vector.shape_cast %mul3A_219 : vector<1250x1xf32> to vector<1250x1xf32>
    %broadcast_in_dim3A_225 = vector.broadcast %broadcast_in_dim3A_224 : vector<1250x1xf32> to vector<1250x512xf32>
    %broadcast_in_dim3A_226 = vector.broadcast %jit3A_223 : f32 to vector<1250x512xf32>
    %select_n3A_227 = arith.select %eq3A_181, %broadcast_in_dim3A_225, %broadcast_in_dim3A_226 : vector<1250x512xi1>, vector<1250x512xf32>
    %reduce_max3A_228 = arith.constant dense<0xFF800000> : vector<512xf32>
    %reduce_max3A_229 = vector.multi_reduction <maximumf>, %select_n3A_227, %reduce_max3A_228 [0] : vector<1250x512xf32> to vector<512xf32>
    %broadcast_in_dim3A_230 = vector.shape_cast %reduce_max3A_229 : vector<512xf32> to vector<1x512xf32>
    %get3A_231 = arith.constant 0 : index
    %get3A_232 = arith.constant 0 : index
    %get3A_233 = vector.load %arg10[%get3A_231, %get3A_232] : memref<1x512xf32, #tpu.memory_space<vmem>>, vector<1x512xf32>
    %max3A_234 = arith.maximumf %get3A_233, %broadcast_in_dim3A_230 : vector<1x512xf32>
    %swap3A_235 = arith.constant 0 : index
    %swap3A_236 = arith.constant 0 : index
    %swap3A_237 = vector.load %arg10[%swap3A_235, %swap3A_236] : memref<1x512xf32, #tpu.memory_space<vmem>>, vector<1x512xf32>
    tpu.vector_store %arg10[%swap3A_235, %swap3A_236], %max3A_234 {strides = array<i32>} : memref<1x512xf32, #tpu.memory_space<vmem>>, vector<1x512xf32>,
    %get3A_238 = arith.constant 5000 : index
    %get3A_239 = arith.constant 0 : index
    %get3A_240 = vector.load %arg2[%get3A_238, %get3A_239] : memref<10000x1xi32, #tpu.memory_space<vmem>>, vector<1250x1xi32>
    %eq3A_241 = vector.broadcast %get3A_240 : vector<1250x1xi32> to vector<1250x512xi32>
    %eq3A_242 = vector.broadcast %iota3A : vector<1x512xi32> to vector<1250x512xi32>
    %eq3A_243 = arith.cmpi eq, %eq3A_241, %eq3A_242 : vector<1250x512xi32>
    %get3A_244 = arith.constant 0 : index
    %get3A_245 = arith.constant 5000 : index
    %get3A_246 = arith.constant 0 : index
    %get3A_247 = vector.load %arg0[%get3A_244, %get3A_245, %get3A_246] : memref<2x10016x144xf32, #tpu.memory_space<vmem>>, vector<1x1250x144xf32>
    %get3A_248 = vector.shape_cast %get3A_247 : vector<1x1250x144xf32> to vector<1250x144xf32>
    %get3A_249 = arith.constant 1 : index
    %get3A_250 = arith.constant 5000 : index
    %get3A_251 = arith.constant 0 : index
    %get3A_252 = vector.load %arg0[%get3A_249, %get3A_250, %get3A_251] : memref<2x10016x144xf32, #tpu.memory_space<vmem>>, vector<1x1250x144xf32>
    %get3A_253 = vector.shape_cast %get3A_252 : vector<1x1250x144xf32> to vector<1250x144xf32>
    %slice3A_254 = vector.extract_strided_slice %get3A_248 {offsets = [0, 0], sizes = [1250, 128], strides = [1, 1]} : vector<1250x144xf32> to vector<1250x128xf32>
    %slice3A_255 = vector.extract_strided_slice %get3A_253 {offsets = [0, 0], sizes = [1250, 128], strides = [1, 1]} : vector<1250x144xf32> to vector<1250x128xf32>
    %add3A_256 = arith.addf %slice3A_254, %slice3A_255 : vector<1250x128xf32>
    %slice3A_257 = vector.extract_strided_slice %get3A_248 {offsets = [0, 128], sizes = [1250, 1], strides = [1, 1]} : vector<1250x144xf32> to vector<1250x1xf32>
    %slice3A_258 = vector.extract_strided_slice %get3A_253 {offsets = [0, 128], sizes = [1250, 1], strides = [1, 1]} : vector<1250x144xf32> to vector<1250x1xf32>
    %add3A_259 = arith.addf %slice3A_257, %slice3A_258 : vector<1250x1xf32>
    %max3A_260 = arith.constant 1.000000e+00 : f32
    %max3A_261 = vector.broadcast %max3A_260 : f32 to vector<1250x1xf32>
    %max3A_262 = arith.maximumf %add3A_259, %max3A_261 : vector<1250x1xf32>
    %div3A_263 = vector.broadcast %max3A_262 : vector<1250x1xf32> to vector<1250x128xf32>
    %div3A_264 = arith.divf %add3A_256, %div3A_263 : vector<1250x128xf32>
    %get3A_265 = arith.constant 5000 : index
    %get3A_266 = arith.constant 0 : index
    %get3A_267 = vector.load %arg1[%get3A_265, %get3A_266] : memref<10016x128xf32, #tpu.memory_space<vmem>>, vector<1250x128xf32>
    %add3A_268 = arith.addf %div3A_264, %get3A_267 : vector<1250x128xf32>
    %dot_general3A_269 = arith.constant dense<0.000000e+00> : vector<1250x128xf32>
    %dot_general3A_270 = tpu.matmul %add3A_268, %get3A_4, %dot_general3A_269 {dimension_numbers = #tpu.dot_dimension_numbers<[1], [0], [0], [1], [0, 0, 1, 1], [], []>, transpose_lhs_hint = false} : vector<1250x128xf32>, vector<128x128xf32>, vector<1250x128xf32> -> vector<1250x128xf32>
    %convert_element_type3A_271 = arith.extui %eq3A_243 : vector<1250x512xi1> to vector<1250x512xi32>
    %convert_element_type3A_272 = arith.sitofp %convert_element_type3A_271 : vector<1250x512xi32> to vector<1250x512xf32>
    %dot_general3A_273 = arith.constant dense<0.000000e+00> : vector<1250x128xf32>
    %dot_general3A_274 = tpu.matmul %convert_element_type3A_272, %get3A_1, %dot_general3A_273 {dimension_numbers = #tpu.dot_dimension_numbers<[1], [0], [0], [1], [0, 0, 1, 1], [], []>, transpose_lhs_hint = false} : vector<1250x512xf32>, vector<512x128xf32>, vector<1250x128xf32> -> vector<1250x128xf32>
    %mul3A_275 = arith.mulf %dot_general3A_270, %dot_general3A_274 : vector<1250x128xf32>
    %reduce_sum3A_276 = arith.constant dense<0.000000e+00> : vector<1250xf32>
    %reduce_sum3A_277 = vector.multi_reduction <add>, %mul3A_275, %reduce_sum3A_276 [1] : vector<1250x128xf32> to vector<1250xf32>
    %broadcast_in_dim3A_278 = vector.shape_cast %reduce_sum3A_277 : vector<1250xf32> to vector<1250x1xf32>
    %mul3A_279 = arith.constant 0.0883883461 : f32
    %mul3A_280 = vector.broadcast %mul3A_279 : f32 to vector<1250x1xf32>
    %mul3A_281 = arith.mulf %broadcast_in_dim3A_278, %mul3A_280 : vector<1250x1xf32>
    %swap3A_282 = arith.constant 0 : index
    %swap3A_283 = arith.constant 4 : index
    %swap3A_284 = vector.load %arg8[%swap3A_282, %swap3A_283] : memref<1250x8xf32, #tpu.memory_space<vmem>>, vector<1250x1xf32>
    tpu.vector_store %arg8[%swap3A_282, %swap3A_283], %mul3A_281 {strides = array<i32>} : memref<1250x8xf32, #tpu.memory_space<vmem>>, vector<1250x1xf32>,
    %jit3A_285 = arith.constant -1.000000e+30 : f32
    %broadcast_in_dim3A_286 = vector.shape_cast %mul3A_281 : vector<1250x1xf32> to vector<1250x1xf32>
    %broadcast_in_dim3A_287 = vector.broadcast %broadcast_in_dim3A_286 : vector<1250x1xf32> to vector<1250x512xf32>
    %broadcast_in_dim3A_288 = vector.broadcast %jit3A_285 : f32 to vector<1250x512xf32>
    %select_n3A_289 = arith.select %eq3A_243, %broadcast_in_dim3A_287, %broadcast_in_dim3A_288 : vector<1250x512xi1>, vector<1250x512xf32>
    %reduce_max3A_290 = arith.constant dense<0xFF800000> : vector<512xf32>
    %reduce_max3A_291 = vector.multi_reduction <maximumf>, %select_n3A_289, %reduce_max3A_290 [0] : vector<1250x512xf32> to vector<512xf32>
    %broadcast_in_dim3A_292 = vector.shape_cast %reduce_max3A_291 : vector<512xf32> to vector<1x512xf32>
    %get3A_293 = arith.constant 0 : index
    %get3A_294 = arith.constant 0 : index
    %get3A_295 = vector.load %arg10[%get3A_293, %get3A_294] : memref<1x512xf32, #tpu.memory_space<vmem>>, vector<1x512xf32>
    %max3A_296 = arith.maximumf %get3A_295, %broadcast_in_dim3A_292 : vector<1x512xf32>
    %swap3A_297 = arith.constant 0 : index
    %swap3A_298 = arith.constant 0 : index
    %swap3A_299 = vector.load %arg10[%swap3A_297, %swap3A_298] : memref<1x512xf32, #tpu.memory_space<vmem>>, vector<1x512xf32>
    tpu.vector_store %arg10[%swap3A_297, %swap3A_298], %max3A_296 {strides = array<i32>} : memref<1x512xf32, #tpu.memory_space<vmem>>, vector<1x512xf32>,
    %get3A_300 = arith.constant 6250 : index
    %get3A_301 = arith.constant 0 : index
    %get3A_302 = vector.load %arg2[%get3A_300, %get3A_301] : memref<10000x1xi32, #tpu.memory_space<vmem>>, vector<1250x1xi32>
    %eq3A_303 = vector.broadcast %get3A_302 : vector<1250x1xi32> to vector<1250x512xi32>
    %eq3A_304 = vector.broadcast %iota3A : vector<1x512xi32> to vector<1250x512xi32>
    %eq3A_305 = arith.cmpi eq, %eq3A_303, %eq3A_304 : vector<1250x512xi32>
    %get3A_306 = arith.constant 0 : index
    %get3A_307 = arith.constant 6250 : index
    %get3A_308 = arith.constant 0 : index
    %get3A_309 = vector.load %arg0[%get3A_306, %get3A_307, %get3A_308] : memref<2x10016x144xf32, #tpu.memory_space<vmem>>, vector<1x1250x144xf32>
    %get3A_310 = vector.shape_cast %get3A_309 : vector<1x1250x144xf32> to vector<1250x144xf32>
    %get3A_311 = arith.constant 1 : index
    %get3A_312 = arith.constant 6250 : index
    %get3A_313 = arith.constant 0 : index
    %get3A_314 = vector.load %arg0[%get3A_311, %get3A_312, %get3A_313] : memref<2x10016x144xf32, #tpu.memory_space<vmem>>, vector<1x1250x144xf32>
    %get3A_315 = vector.shape_cast %get3A_314 : vector<1x1250x144xf32> to vector<1250x144xf32>
    %slice3A_316 = vector.extract_strided_slice %get3A_310 {offsets = [0, 0], sizes = [1250, 128], strides = [1, 1]} : vector<1250x144xf32> to vector<1250x128xf32>
    %slice3A_317 = vector.extract_strided_slice %get3A_315 {offsets = [0, 0], sizes = [1250, 128], strides = [1, 1]} : vector<1250x144xf32> to vector<1250x128xf32>
    %add3A_318 = arith.addf %slice3A_316, %slice3A_317 : vector<1250x128xf32>
    %slice3A_319 = vector.extract_strided_slice %get3A_310 {offsets = [0, 128], sizes = [1250, 1], strides = [1, 1]} : vector<1250x144xf32> to vector<1250x1xf32>
    %slice3A_320 = vector.extract_strided_slice %get3A_315 {offsets = [0, 128], sizes = [1250, 1], strides = [1, 1]} : vector<1250x144xf32> to vector<1250x1xf32>
    %add3A_321 = arith.addf %slice3A_319, %slice3A_320 : vector<1250x1xf32>
    %max3A_322 = arith.constant 1.000000e+00 : f32
    %max3A_323 = vector.broadcast %max3A_322 : f32 to vector<1250x1xf32>
    %max3A_324 = arith.maximumf %add3A_321, %max3A_323 : vector<1250x1xf32>
    %div3A_325 = vector.broadcast %max3A_324 : vector<1250x1xf32> to vector<1250x128xf32>
    %div3A_326 = arith.divf %add3A_318, %div3A_325 : vector<1250x128xf32>
    %get3A_327 = arith.constant 6250 : index
    %get3A_328 = arith.constant 0 : index
    %get3A_329 = vector.load %arg1[%get3A_327, %get3A_328] : memref<10016x128xf32, #tpu.memory_space<vmem>>, vector<1250x128xf32>
    %add3A_330 = arith.addf %div3A_326, %get3A_329 : vector<1250x128xf32>
    %dot_general3A_331 = arith.constant dense<0.000000e+00> : vector<1250x128xf32>
    %dot_general3A_332 = tpu.matmul %add3A_330, %get3A_4, %dot_general3A_331 {dimension_numbers = #tpu.dot_dimension_numbers<[1], [0], [0], [1], [0, 0, 1, 1], [], []>, transpose_lhs_hint = false} : vector<1250x128xf32>, vector<128x128xf32>, vector<1250x128xf32> -> vector<1250x128xf32>
    %convert_element_type3A_333 = arith.extui %eq3A_305 : vector<1250x512xi1> to vector<1250x512xi32>
    %convert_element_type3A_334 = arith.sitofp %convert_element_type3A_333 : vector<1250x512xi32> to vector<1250x512xf32>
    %dot_general3A_335 = arith.constant dense<0.000000e+00> : vector<1250x128xf32>
    %dot_general3A_336 = tpu.matmul %convert_element_type3A_334, %get3A_1, %dot_general3A_335 {dimension_numbers = #tpu.dot_dimension_numbers<[1], [0], [0], [1], [0, 0, 1, 1], [], []>, transpose_lhs_hint = false} : vector<1250x512xf32>, vector<512x128xf32>, vector<1250x128xf32> -> vector<1250x128xf32>
    %mul3A_337 = arith.mulf %dot_general3A_332, %dot_general3A_336 : vector<1250x128xf32>
    %reduce_sum3A_338 = arith.constant dense<0.000000e+00> : vector<1250xf32>
    %reduce_sum3A_339 = vector.multi_reduction <add>, %mul3A_337, %reduce_sum3A_338 [1] : vector<1250x128xf32> to vector<1250xf32>
    %broadcast_in_dim3A_340 = vector.shape_cast %reduce_sum3A_339 : vector<1250xf32> to vector<1250x1xf32>
    %mul3A_341 = arith.constant 0.0883883461 : f32
    %mul3A_342 = vector.broadcast %mul3A_341 : f32 to vector<1250x1xf32>
    %mul3A_343 = arith.mulf %broadcast_in_dim3A_340, %mul3A_342 : vector<1250x1xf32>
    %swap3A_344 = arith.constant 0 : index
    %swap3A_345 = arith.constant 5 : index
    %swap3A_346 = vector.load %arg8[%swap3A_344, %swap3A_345] : memref<1250x8xf32, #tpu.memory_space<vmem>>, vector<1250x1xf32>
    tpu.vector_store %arg8[%swap3A_344, %swap3A_345], %mul3A_343 {strides = array<i32>} : memref<1250x8xf32, #tpu.memory_space<vmem>>, vector<1250x1xf32>,
    %jit3A_347 = arith.constant -1.000000e+30 : f32
    %broadcast_in_dim3A_348 = vector.shape_cast %mul3A_343 : vector<1250x1xf32> to vector<1250x1xf32>
    %broadcast_in_dim3A_349 = vector.broadcast %broadcast_in_dim3A_348 : vector<1250x1xf32> to vector<1250x512xf32>
    %broadcast_in_dim3A_350 = vector.broadcast %jit3A_347 : f32 to vector<1250x512xf32>
    %select_n3A_351 = arith.select %eq3A_305, %broadcast_in_dim3A_349, %broadcast_in_dim3A_350 : vector<1250x512xi1>, vector<1250x512xf32>
    %reduce_max3A_352 = arith.constant dense<0xFF800000> : vector<512xf32>
    %reduce_max3A_353 = vector.multi_reduction <maximumf>, %select_n3A_351, %reduce_max3A_352 [0] : vector<1250x512xf32> to vector<512xf32>
    %broadcast_in_dim3A_354 = vector.shape_cast %reduce_max3A_353 : vector<512xf32> to vector<1x512xf32>
    %get3A_355 = arith.constant 0 : index
    %get3A_356 = arith.constant 0 : index
    %get3A_357 = vector.load %arg10[%get3A_355, %get3A_356] : memref<1x512xf32, #tpu.memory_space<vmem>>, vector<1x512xf32>
    %max3A_358 = arith.maximumf %get3A_357, %broadcast_in_dim3A_354 : vector<1x512xf32>
    %swap3A_359 = arith.constant 0 : index
    %swap3A_360 = arith.constant 0 : index
    %swap3A_361 = vector.load %arg10[%swap3A_359, %swap3A_360] : memref<1x512xf32, #tpu.memory_space<vmem>>, vector<1x512xf32>
    tpu.vector_store %arg10[%swap3A_359, %swap3A_360], %max3A_358 {strides = array<i32>} : memref<1x512xf32, #tpu.memory_space<vmem>>, vector<1x512xf32>,
    %get3A_362 = arith.constant 7500 : index
    %get3A_363 = arith.constant 0 : index
    %get3A_364 = vector.load %arg2[%get3A_362, %get3A_363] : memref<10000x1xi32, #tpu.memory_space<vmem>>, vector<1250x1xi32>
    %eq3A_365 = vector.broadcast %get3A_364 : vector<1250x1xi32> to vector<1250x512xi32>
    %eq3A_366 = vector.broadcast %iota3A : vector<1x512xi32> to vector<1250x512xi32>
    %eq3A_367 = arith.cmpi eq, %eq3A_365, %eq3A_366 : vector<1250x512xi32>
    %get3A_368 = arith.constant 0 : index
    %get3A_369 = arith.constant 7500 : index
    %get3A_370 = arith.constant 0 : index
    %get3A_371 = vector.load %arg0[%get3A_368, %get3A_369, %get3A_370] : memref<2x10016x144xf32, #tpu.memory_space<vmem>>, vector<1x1250x144xf32>
    %get3A_372 = vector.shape_cast %get3A_371 : vector<1x1250x144xf32> to vector<1250x144xf32>
    %get3A_373 = arith.constant 1 : index
    %get3A_374 = arith.constant 7500 : index
    %get3A_375 = arith.constant 0 : index
    %get3A_376 = vector.load %arg0[%get3A_373, %get3A_374, %get3A_375] : memref<2x10016x144xf32, #tpu.memory_space<vmem>>, vector<1x1250x144xf32>
    %get3A_377 = vector.shape_cast %get3A_376 : vector<1x1250x144xf32> to vector<1250x144xf32>
    %slice3A_378 = vector.extract_strided_slice %get3A_372 {offsets = [0, 0], sizes = [1250, 128], strides = [1, 1]} : vector<1250x144xf32> to vector<1250x128xf32>
    %slice3A_379 = vector.extract_strided_slice %get3A_377 {offsets = [0, 0], sizes = [1250, 128], strides = [1, 1]} : vector<1250x144xf32> to vector<1250x128xf32>
    %add3A_380 = arith.addf %slice3A_378, %slice3A_379 : vector<1250x128xf32>
    %slice3A_381 = vector.extract_strided_slice %get3A_372 {offsets = [0, 128], sizes = [1250, 1], strides = [1, 1]} : vector<1250x144xf32> to vector<1250x1xf32>
    %slice3A_382 = vector.extract_strided_slice %get3A_377 {offsets = [0, 128], sizes = [1250, 1], strides = [1, 1]} : vector<1250x144xf32> to vector<1250x1xf32>
    %add3A_383 = arith.addf %slice3A_381, %slice3A_382 : vector<1250x1xf32>
    %max3A_384 = arith.constant 1.000000e+00 : f32
    %max3A_385 = vector.broadcast %max3A_384 : f32 to vector<1250x1xf32>
    %max3A_386 = arith.maximumf %add3A_383, %max3A_385 : vector<1250x1xf32>
    %div3A_387 = vector.broadcast %max3A_386 : vector<1250x1xf32> to vector<1250x128xf32>
    %div3A_388 = arith.divf %add3A_380, %div3A_387 : vector<1250x128xf32>
    %get3A_389 = arith.constant 7500 : index
    %get3A_390 = arith.constant 0 : index
    %get3A_391 = vector.load %arg1[%get3A_389, %get3A_390] : memref<10016x128xf32, #tpu.memory_space<vmem>>, vector<1250x128xf32>
    %add3A_392 = arith.addf %div3A_388, %get3A_391 : vector<1250x128xf32>
    %dot_general3A_393 = arith.constant dense<0.000000e+00> : vector<1250x128xf32>
    %dot_general3A_394 = tpu.matmul %add3A_392, %get3A_4, %dot_general3A_393 {dimension_numbers = #tpu.dot_dimension_numbers<[1], [0], [0], [1], [0, 0, 1, 1], [], []>, transpose_lhs_hint = false} : vector<1250x128xf32>, vector<128x128xf32>, vector<1250x128xf32> -> vector<1250x128xf32>
    %convert_element_type3A_395 = arith.extui %eq3A_367 : vector<1250x512xi1> to vector<1250x512xi32>
    %convert_element_type3A_396 = arith.sitofp %convert_element_type3A_395 : vector<1250x512xi32> to vector<1250x512xf32>
    %dot_general3A_397 = arith.constant dense<0.000000e+00> : vector<1250x128xf32>
    %dot_general3A_398 = tpu.matmul %convert_element_type3A_396, %get3A_1, %dot_general3A_397 {dimension_numbers = #tpu.dot_dimension_numbers<[1], [0], [0], [1], [0, 0, 1, 1], [], []>, transpose_lhs_hint = false} : vector<1250x512xf32>, vector<512x128xf32>, vector<1250x128xf32> -> vector<1250x128xf32>
    %mul3A_399 = arith.mulf %dot_general3A_394, %dot_general3A_398 : vector<1250x128xf32>
    %reduce_sum3A_400 = arith.constant dense<0.000000e+00> : vector<1250xf32>
    %reduce_sum3A_401 = vector.multi_reduction <add>, %mul3A_399, %reduce_sum3A_400 [1] : vector<1250x128xf32> to vector<1250xf32>
    %broadcast_in_dim3A_402 = vector.shape_cast %reduce_sum3A_401 : vector<1250xf32> to vector<1250x1xf32>
    %mul3A_403 = arith.constant 0.0883883461 : f32
    %mul3A_404 = vector.broadcast %mul3A_403 : f32 to vector<1250x1xf32>
    %mul3A_405 = arith.mulf %broadcast_in_dim3A_402, %mul3A_404 : vector<1250x1xf32>
    %swap3A_406 = arith.constant 0 : index
    %swap3A_407 = arith.constant 6 : index
    %swap3A_408 = vector.load %arg8[%swap3A_406, %swap3A_407] : memref<1250x8xf32, #tpu.memory_space<vmem>>, vector<1250x1xf32>
    tpu.vector_store %arg8[%swap3A_406, %swap3A_407], %mul3A_405 {strides = array<i32>} : memref<1250x8xf32, #tpu.memory_space<vmem>>, vector<1250x1xf32>,
    %jit3A_409 = arith.constant -1.000000e+30 : f32
    %broadcast_in_dim3A_410 = vector.shape_cast %mul3A_405 : vector<1250x1xf32> to vector<1250x1xf32>
    %broadcast_in_dim3A_411 = vector.broadcast %broadcast_in_dim3A_410 : vector<1250x1xf32> to vector<1250x512xf32>
    %broadcast_in_dim3A_412 = vector.broadcast %jit3A_409 : f32 to vector<1250x512xf32>
    %select_n3A_413 = arith.select %eq3A_367, %broadcast_in_dim3A_411, %broadcast_in_dim3A_412 : vector<1250x512xi1>, vector<1250x512xf32>
    %reduce_max3A_414 = arith.constant dense<0xFF800000> : vector<512xf32>
    %reduce_max3A_415 = vector.multi_reduction <maximumf>, %select_n3A_413, %reduce_max3A_414 [0] : vector<1250x512xf32> to vector<512xf32>
    %broadcast_in_dim3A_416 = vector.shape_cast %reduce_max3A_415 : vector<512xf32> to vector<1x512xf32>
    %get3A_417 = arith.constant 0 : index
    %get3A_418 = arith.constant 0 : index
    %get3A_419 = vector.load %arg10[%get3A_417, %get3A_418] : memref<1x512xf32, #tpu.memory_space<vmem>>, vector<1x512xf32>
    %max3A_420 = arith.maximumf %get3A_419, %broadcast_in_dim3A_416 : vector<1x512xf32>
    %swap3A_421 = arith.constant 0 : index
    %swap3A_422 = arith.constant 0 : index
    %swap3A_423 = vector.load %arg10[%swap3A_421, %swap3A_422] : memref<1x512xf32, #tpu.memory_space<vmem>>, vector<1x512xf32>
    tpu.vector_store %arg10[%swap3A_421, %swap3A_422], %max3A_420 {strides = array<i32>} : memref<1x512xf32, #tpu.memory_space<vmem>>, vector<1x512xf32>,
    %get3A_424 = arith.constant 8750 : index
    %get3A_425 = arith.constant 0 : index
    %get3A_426 = vector.load %arg2[%get3A_424, %get3A_425] : memref<10000x1xi32, #tpu.memory_space<vmem>>, vector<1250x1xi32>
    %eq3A_427 = vector.broadcast %get3A_426 : vector<1250x1xi32> to vector<1250x512xi32>
    %eq3A_428 = vector.broadcast %iota3A : vector<1x512xi32> to vector<1250x512xi32>
    %eq3A_429 = arith.cmpi eq, %eq3A_427, %eq3A_428 : vector<1250x512xi32>
    %get3A_430 = arith.constant 0 : index
    %get3A_431 = arith.constant 8750 : index
    %get3A_432 = arith.constant 0 : index
    %get3A_433 = vector.load %arg0[%get3A_430, %get3A_431, %get3A_432] : memref<2x10016x144xf32, #tpu.memory_space<vmem>>, vector<1x1250x144xf32>
    %get3A_434 = vector.shape_cast %get3A_433 : vector<1x1250x144xf32> to vector<1250x144xf32>
    %get3A_435 = arith.constant 1 : index
    %get3A_436 = arith.constant 8750 : index
    %get3A_437 = arith.constant 0 : index
    %get3A_438 = vector.load %arg0[%get3A_435, %get3A_436, %get3A_437] : memref<2x10016x144xf32, #tpu.memory_space<vmem>>, vector<1x1250x144xf32>
    %get3A_439 = vector.shape_cast %get3A_438 : vector<1x1250x144xf32> to vector<1250x144xf32>
    %slice3A_440 = vector.extract_strided_slice %get3A_434 {offsets = [0, 0], sizes = [1250, 128], strides = [1, 1]} : vector<1250x144xf32> to vector<1250x128xf32>
    %slice3A_441 = vector.extract_strided_slice %get3A_439 {offsets = [0, 0], sizes = [1250, 128], strides = [1, 1]} : vector<1250x144xf32> to vector<1250x128xf32>
    %add3A_442 = arith.addf %slice3A_440, %slice3A_441 : vector<1250x128xf32>
    %slice3A_443 = vector.extract_strided_slice %get3A_434 {offsets = [0, 128], sizes = [1250, 1], strides = [1, 1]} : vector<1250x144xf32> to vector<1250x1xf32>
    %slice3A_444 = vector.extract_strided_slice %get3A_439 {offsets = [0, 128], sizes = [1250, 1], strides = [1, 1]} : vector<1250x144xf32> to vector<1250x1xf32>
    %add3A_445 = arith.addf %slice3A_443, %slice3A_444 : vector<1250x1xf32>
    %max3A_446 = arith.constant 1.000000e+00 : f32
    %max3A_447 = vector.broadcast %max3A_446 : f32 to vector<1250x1xf32>
    %max3A_448 = arith.maximumf %add3A_445, %max3A_447 : vector<1250x1xf32>
    %div3A_449 = vector.broadcast %max3A_448 : vector<1250x1xf32> to vector<1250x128xf32>
    %div3A_450 = arith.divf %add3A_442, %div3A_449 : vector<1250x128xf32>
    %get3A_451 = arith.constant 8750 : index
    %get3A_452 = arith.constant 0 : index
    %get3A_453 = vector.load %arg1[%get3A_451, %get3A_452] : memref<10016x128xf32, #tpu.memory_space<vmem>>, vector<1250x128xf32>
    %add3A_454 = arith.addf %div3A_450, %get3A_453 : vector<1250x128xf32>
    %dot_general3A_455 = arith.constant dense<0.000000e+00> : vector<1250x128xf32>
    %dot_general3A_456 = tpu.matmul %add3A_454, %get3A_4, %dot_general3A_455 {dimension_numbers = #tpu.dot_dimension_numbers<[1], [0], [0], [1], [0, 0, 1, 1], [], []>, transpose_lhs_hint = false} : vector<1250x128xf32>, vector<128x128xf32>, vector<1250x128xf32> -> vector<1250x128xf32>
    %convert_element_type3A_457 = arith.extui %eq3A_429 : vector<1250x512xi1> to vector<1250x512xi32>
    %convert_element_type3A_458 = arith.sitofp %convert_element_type3A_457 : vector<1250x512xi32> to vector<1250x512xf32>
    %dot_general3A_459 = arith.constant dense<0.000000e+00> : vector<1250x128xf32>
    %dot_general3A_460 = tpu.matmul %convert_element_type3A_458, %get3A_1, %dot_general3A_459 {dimension_numbers = #tpu.dot_dimension_numbers<[1], [0], [0], [1], [0, 0, 1, 1], [], []>, transpose_lhs_hint = false} : vector<1250x512xf32>, vector<512x128xf32>, vector<1250x128xf32> -> vector<1250x128xf32>
    %mul3A_461 = arith.mulf %dot_general3A_456, %dot_general3A_460 : vector<1250x128xf32>
    %reduce_sum3A_462 = arith.constant dense<0.000000e+00> : vector<1250xf32>
    %reduce_sum3A_463 = vector.multi_reduction <add>, %mul3A_461, %reduce_sum3A_462 [1] : vector<1250x128xf32> to vector<1250xf32>
    %broadcast_in_dim3A_464 = vector.shape_cast %reduce_sum3A_463 : vector<1250xf32> to vector<1250x1xf32>
    %mul3A_465 = arith.constant 0.0883883461 : f32
    %mul3A_466 = vector.broadcast %mul3A_465 : f32 to vector<1250x1xf32>
    %mul3A_467 = arith.mulf %broadcast_in_dim3A_464, %mul3A_466 : vector<1250x1xf32>
    %swap3A_468 = arith.constant 0 : index
    %swap3A_469 = arith.constant 7 : index
    %swap3A_470 = vector.load %arg8[%swap3A_468, %swap3A_469] : memref<1250x8xf32, #tpu.memory_space<vmem>>, vector<1250x1xf32>
    tpu.vector_store %arg8[%swap3A_468, %swap3A_469], %mul3A_467 {strides = array<i32>} : memref<1250x8xf32, #tpu.memory_space<vmem>>, vector<1250x1xf32>,
    %jit3A_471 = arith.constant -1.000000e+30 : f32
    %broadcast_in_dim3A_472 = vector.shape_cast %mul3A_467 : vector<1250x1xf32> to vector<1250x1xf32>
    %broadcast_in_dim3A_473 = vector.broadcast %broadcast_in_dim3A_472 : vector<1250x1xf32> to vector<1250x512xf32>
    %broadcast_in_dim3A_474 = vector.broadcast %jit3A_471 : f32 to vector<1250x512xf32>
    %select_n3A_475 = arith.select %eq3A_429, %broadcast_in_dim3A_473, %broadcast_in_dim3A_474 : vector<1250x512xi1>, vector<1250x512xf32>
    %reduce_max3A_476 = arith.constant dense<0xFF800000> : vector<512xf32>
    %reduce_max3A_477 = vector.multi_reduction <maximumf>, %select_n3A_475, %reduce_max3A_476 [0] : vector<1250x512xf32> to vector<512xf32>
    %broadcast_in_dim3A_478 = vector.shape_cast %reduce_max3A_477 : vector<512xf32> to vector<1x512xf32>
    %get3A_479 = arith.constant 0 : index
    %get3A_480 = arith.constant 0 : index
    %get3A_481 = vector.load %arg10[%get3A_479, %get3A_480] : memref<1x512xf32, #tpu.memory_space<vmem>>, vector<1x512xf32>
    %max3A_482 = arith.maximumf %get3A_481, %broadcast_in_dim3A_478 : vector<1x512xf32>
    %swap3A_483 = arith.constant 0 : index
    %swap3A_484 = arith.constant 0 : index
    %swap3A_485 = vector.load %arg10[%swap3A_483, %swap3A_484] : memref<1x512xf32, #tpu.memory_space<vmem>>, vector<1x512xf32>
    tpu.vector_store %arg10[%swap3A_483, %swap3A_484], %max3A_482 {strides = array<i32>} : memref<1x512xf32, #tpu.memory_space<vmem>>, vector<1x512xf32>,
    %get3A_486 = arith.constant 0 : index
    %get3A_487 = arith.constant 0 : index
    %get3A_488 = vector.load %arg2[%get3A_486, %get3A_487] : memref<10000x1xi32, #tpu.memory_space<vmem>>, vector<1250x1xi32>
    %eq3A_489 = vector.broadcast %get3A_488 : vector<1250x1xi32> to vector<1250x512xi32>
    %eq3A_490 = vector.broadcast %iota3A : vector<1x512xi32> to vector<1250x512xi32>
    %eq3A_491 = arith.cmpi eq, %eq3A_489, %eq3A_490 : vector<1250x512xi32>
    %get3A_492 = arith.constant 0 : index
    %get3A_493 = arith.constant 0 : index
    %get3A_494 = vector.load %arg10[%get3A_492, %get3A_493] : memref<1x512xf32, #tpu.memory_space<vmem>>, vector<1x512xf32>
    %jit3A_495 = arith.constant -1.000000e+30 : f32
    %broadcast_in_dim3A_496 = vector.shape_cast %get3A_494 : vector<1x512xf32> to vector<1x512xf32>
    %broadcast_in_dim3A_497 = vector.broadcast %broadcast_in_dim3A_496 : vector<1x512xf32> to vector<1250x512xf32>
    %broadcast_in_dim3A_498 = vector.broadcast %jit3A_495 : f32 to vector<1250x512xf32>
    %select_n3A_499 = arith.select %eq3A_491, %broadcast_in_dim3A_497, %broadcast_in_dim3A_498 : vector<1250x512xi1>, vector<1250x512xf32>
    %reduce_max3A_500 = arith.constant dense<0xFF800000> : vector<1250xf32>
    %reduce_max3A_501 = vector.multi_reduction <maximumf>, %select_n3A_499, %reduce_max3A_500 [1] : vector<1250x512xf32> to vector<1250xf32>
    %broadcast_in_dim3A_502 = vector.shape_cast %reduce_max3A_501 : vector<1250xf32> to vector<1250x1xf32>
    %get3A_503 = arith.constant 0 : index
    %get3A_504 = arith.constant 0 : index
    %get3A_505 = vector.load %arg8[%get3A_503, %get3A_504] : memref<1250x8xf32, #tpu.memory_space<vmem>>, vector<1250x1xf32>
    %sub3A = arith.subf %get3A_505, %broadcast_in_dim3A_502 : vector<1250x1xf32>
    %exp3A = math.exp %sub3A : vector<1250x1xf32>
    %swap3A_506 = arith.constant 0 : index
    %swap3A_507 = arith.constant 0 : index
    %swap3A_508 = vector.load %arg9[%swap3A_506, %swap3A_507] : memref<1250x8xf32, #tpu.memory_space<vmem>>, vector<1250x1xf32>
    tpu.vector_store %arg9[%swap3A_506, %swap3A_507], %exp3A {strides = array<i32>} : memref<1250x8xf32, #tpu.memory_space<vmem>>, vector<1250x1xf32>,
    %jit3A_509 = arith.constant 0.000000e+00 : f32
    %broadcast_in_dim3A_510 = vector.shape_cast %exp3A : vector<1250x1xf32> to vector<1250x1xf32>
    %broadcast_in_dim3A_511 = vector.broadcast %broadcast_in_dim3A_510 : vector<1250x1xf32> to vector<1250x512xf32>
    %broadcast_in_dim3A_512 = vector.broadcast %jit3A_509 : f32 to vector<1250x512xf32>
    %select_n3A_513 = arith.select %eq3A_491, %broadcast_in_dim3A_511, %broadcast_in_dim3A_512 : vector<1250x512xi1>, vector<1250x512xf32>
    %reduce_sum3A_514 = arith.constant dense<0.000000e+00> : vector<512xf32>
    %reduce_sum3A_515 = vector.multi_reduction <add>, %select_n3A_513, %reduce_sum3A_514 [0] : vector<1250x512xf32> to vector<512xf32>
    %broadcast_in_dim3A_516 = vector.shape_cast %reduce_sum3A_515 : vector<512xf32> to vector<1x512xf32>
    %swap3A_517 = arith.constant 0 : index
    %swap3A_518 = arith.constant 0 : index
    %swap3A_519 = vector.load %arg11[%swap3A_517, %swap3A_518] : memref<1x512xf32, #tpu.memory_space<vmem>>, vector<1x512xf32>
    tpu.vector_store %arg11[%swap3A_517, %swap3A_518], %broadcast_in_dim3A_516 {strides = array<i32>} : memref<1x512xf32, #tpu.memory_space<vmem>>, vector<1x512xf32>,
    %get3A_520 = arith.constant 1250 : index
    %get3A_521 = arith.constant 0 : index
    %get3A_522 = vector.load %arg2[%get3A_520, %get3A_521] : memref<10000x1xi32, #tpu.memory_space<vmem>>, vector<1250x1xi32>
    %eq3A_523 = vector.broadcast %get3A_522 : vector<1250x1xi32> to vector<1250x512xi32>
    %eq3A_524 = vector.broadcast %iota3A : vector<1x512xi32> to vector<1250x512xi32>
    %eq3A_525 = arith.cmpi eq, %eq3A_523, %eq3A_524 : vector<1250x512xi32>
    %get3A_526 = arith.constant 0 : index
    %get3A_527 = arith.constant 0 : index
    %get3A_528 = vector.load %arg10[%get3A_526, %get3A_527] : memref<1x512xf32, #tpu.memory_space<vmem>>, vector<1x512xf32>
    %jit3A_529 = arith.constant -1.000000e+30 : f32
    %broadcast_in_dim3A_530 = vector.shape_cast %get3A_528 : vector<1x512xf32> to vector<1x512xf32>
    %broadcast_in_dim3A_531 = vector.broadcast %broadcast_in_dim3A_530 : vector<1x512xf32> to vector<1250x512xf32>
    %broadcast_in_dim3A_532 = vector.broadcast %jit3A_529 : f32 to vector<1250x512xf32>
    %select_n3A_533 = arith.select %eq3A_525, %broadcast_in_dim3A_531, %broadcast_in_dim3A_532 : vector<1250x512xi1>, vector<1250x512xf32>
    %reduce_max3A_534 = arith.constant dense<0xFF800000> : vector<1250xf32>
    %reduce_max3A_535 = vector.multi_reduction <maximumf>, %select_n3A_533, %reduce_max3A_534 [1] : vector<1250x512xf32> to vector<1250xf32>
    %broadcast_in_dim3A_536 = vector.shape_cast %reduce_max3A_535 : vector<1250xf32> to vector<1250x1xf32>
    %get3A_537 = arith.constant 0 : index
    %get3A_538 = arith.constant 1 : index
    %get3A_539 = vector.load %arg8[%get3A_537, %get3A_538] : memref<1250x8xf32, #tpu.memory_space<vmem>>, vector<1250x1xf32>
    %sub3A_540 = arith.subf %get3A_539, %broadcast_in_dim3A_536 : vector<1250x1xf32>
    %exp3A_541 = math.exp %sub3A_540 : vector<1250x1xf32>
    %swap3A_542 = arith.constant 0 : index
    %swap3A_543 = arith.constant 1 : index
    %swap3A_544 = vector.load %arg9[%swap3A_542, %swap3A_543] : memref<1250x8xf32, #tpu.memory_space<vmem>>, vector<1250x1xf32>
    tpu.vector_store %arg9[%swap3A_542, %swap3A_543], %exp3A_541 {strides = array<i32>} : memref<1250x8xf32, #tpu.memory_space<vmem>>, vector<1250x1xf32>,
    %jit3A_545 = arith.constant 0.000000e+00 : f32
    %broadcast_in_dim3A_546 = vector.shape_cast %exp3A_541 : vector<1250x1xf32> to vector<1250x1xf32>
    %broadcast_in_dim3A_547 = vector.broadcast %broadcast_in_dim3A_546 : vector<1250x1xf32> to vector<1250x512xf32>
    %broadcast_in_dim3A_548 = vector.broadcast %jit3A_545 : f32 to vector<1250x512xf32>
    %select_n3A_549 = arith.select %eq3A_525, %broadcast_in_dim3A_547, %broadcast_in_dim3A_548 : vector<1250x512xi1>, vector<1250x512xf32>
    %reduce_sum3A_550 = arith.constant dense<0.000000e+00> : vector<512xf32>
    %reduce_sum3A_551 = vector.multi_reduction <add>, %select_n3A_549, %reduce_sum3A_550 [0] : vector<1250x512xf32> to vector<512xf32>
    %broadcast_in_dim3A_552 = vector.shape_cast %reduce_sum3A_551 : vector<512xf32> to vector<1x512xf32>
    %get3A_553 = arith.constant 0 : index
    %get3A_554 = arith.constant 0 : index
    %get3A_555 = vector.load %arg11[%get3A_553, %get3A_554] : memref<1x512xf32, #tpu.memory_space<vmem>>, vector<1x512xf32>
    %add3A_556 = arith.addf %get3A_555, %broadcast_in_dim3A_552 : vector<1x512xf32>
    %swap3A_557 = arith.constant 0 : index
    %swap3A_558 = arith.constant 0 : index
    %swap3A_559 = vector.load %arg11[%swap3A_557, %swap3A_558] : memref<1x512xf32, #tpu.memory_space<vmem>>, vector<1x512xf32>
    tpu.vector_store %arg11[%swap3A_557, %swap3A_558], %add3A_556 {strides = array<i32>} : memref<1x512xf32, #tpu.memory_space<vmem>>, vector<1x512xf32>,
    %get3A_560 = arith.constant 2500 : index
    %get3A_561 = arith.constant 0 : index
    %get3A_562 = vector.load %arg2[%get3A_560, %get3A_561] : memref<10000x1xi32, #tpu.memory_space<vmem>>, vector<1250x1xi32>
    %eq3A_563 = vector.broadcast %get3A_562 : vector<1250x1xi32> to vector<1250x512xi32>
    %eq3A_564 = vector.broadcast %iota3A : vector<1x512xi32> to vector<1250x512xi32>
    %eq3A_565 = arith.cmpi eq, %eq3A_563, %eq3A_564 : vector<1250x512xi32>
    %get3A_566 = arith.constant 0 : index
    %get3A_567 = arith.constant 0 : index
    %get3A_568 = vector.load %arg10[%get3A_566, %get3A_567] : memref<1x512xf32, #tpu.memory_space<vmem>>, vector<1x512xf32>
    %jit3A_569 = arith.constant -1.000000e+30 : f32
    %broadcast_in_dim3A_570 = vector.shape_cast %get3A_568 : vector<1x512xf32> to vector<1x512xf32>
    %broadcast_in_dim3A_571 = vector.broadcast %broadcast_in_dim3A_570 : vector<1x512xf32> to vector<1250x512xf32>
    %broadcast_in_dim3A_572 = vector.broadcast %jit3A_569 : f32 to vector<1250x512xf32>
    %select_n3A_573 = arith.select %eq3A_565, %broadcast_in_dim3A_571, %broadcast_in_dim3A_572 : vector<1250x512xi1>, vector<1250x512xf32>
    %reduce_max3A_574 = arith.constant dense<0xFF800000> : vector<1250xf32>
    %reduce_max3A_575 = vector.multi_reduction <maximumf>, %select_n3A_573, %reduce_max3A_574 [1] : vector<1250x512xf32> to vector<1250xf32>
    %broadcast_in_dim3A_576 = vector.shape_cast %reduce_max3A_575 : vector<1250xf32> to vector<1250x1xf32>
    %get3A_577 = arith.constant 0 : index
    %get3A_578 = arith.constant 2 : index
    %get3A_579 = vector.load %arg8[%get3A_577, %get3A_578] : memref<1250x8xf32, #tpu.memory_space<vmem>>, vector<1250x1xf32>
    %sub3A_580 = arith.subf %get3A_579, %broadcast_in_dim3A_576 : vector<1250x1xf32>
    %exp3A_581 = math.exp %sub3A_580 : vector<1250x1xf32>
    %swap3A_582 = arith.constant 0 : index
    %swap3A_583 = arith.constant 2 : index
    %swap3A_584 = vector.load %arg9[%swap3A_582, %swap3A_583] : memref<1250x8xf32, #tpu.memory_space<vmem>>, vector<1250x1xf32>
    tpu.vector_store %arg9[%swap3A_582, %swap3A_583], %exp3A_581 {strides = array<i32>} : memref<1250x8xf32, #tpu.memory_space<vmem>>, vector<1250x1xf32>,
    %jit3A_585 = arith.constant 0.000000e+00 : f32
    %broadcast_in_dim3A_586 = vector.shape_cast %exp3A_581 : vector<1250x1xf32> to vector<1250x1xf32>
    %broadcast_in_dim3A_587 = vector.broadcast %broadcast_in_dim3A_586 : vector<1250x1xf32> to vector<1250x512xf32>
    %broadcast_in_dim3A_588 = vector.broadcast %jit3A_585 : f32 to vector<1250x512xf32>
    %select_n3A_589 = arith.select %eq3A_565, %broadcast_in_dim3A_587, %broadcast_in_dim3A_588 : vector<1250x512xi1>, vector<1250x512xf32>
    %reduce_sum3A_590 = arith.constant dense<0.000000e+00> : vector<512xf32>
    %reduce_sum3A_591 = vector.multi_reduction <add>, %select_n3A_589, %reduce_sum3A_590 [0] : vector<1250x512xf32> to vector<512xf32>
    %broadcast_in_dim3A_592 = vector.shape_cast %reduce_sum3A_591 : vector<512xf32> to vector<1x512xf32>
    %get3A_593 = arith.constant 0 : index
    %get3A_594 = arith.constant 0 : index
    %get3A_595 = vector.load %arg11[%get3A_593, %get3A_594] : memref<1x512xf32, #tpu.memory_space<vmem>>, vector<1x512xf32>
    %add3A_596 = arith.addf %get3A_595, %broadcast_in_dim3A_592 : vector<1x512xf32>
    %swap3A_597 = arith.constant 0 : index
    %swap3A_598 = arith.constant 0 : index
    %swap3A_599 = vector.load %arg11[%swap3A_597, %swap3A_598] : memref<1x512xf32, #tpu.memory_space<vmem>>, vector<1x512xf32>
    tpu.vector_store %arg11[%swap3A_597, %swap3A_598], %add3A_596 {strides = array<i32>} : memref<1x512xf32, #tpu.memory_space<vmem>>, vector<1x512xf32>,
    %get3A_600 = arith.constant 3750 : index
    %get3A_601 = arith.constant 0 : index
    %get3A_602 = vector.load %arg2[%get3A_600, %get3A_601] : memref<10000x1xi32, #tpu.memory_space<vmem>>, vector<1250x1xi32>
    %eq3A_603 = vector.broadcast %get3A_602 : vector<1250x1xi32> to vector<1250x512xi32>
    %eq3A_604 = vector.broadcast %iota3A : vector<1x512xi32> to vector<1250x512xi32>
    %eq3A_605 = arith.cmpi eq, %eq3A_603, %eq3A_604 : vector<1250x512xi32>
    %get3A_606 = arith.constant 0 : index
    %get3A_607 = arith.constant 0 : index
    %get3A_608 = vector.load %arg10[%get3A_606, %get3A_607] : memref<1x512xf32, #tpu.memory_space<vmem>>, vector<1x512xf32>
    %jit3A_609 = arith.constant -1.000000e+30 : f32
    %broadcast_in_dim3A_610 = vector.shape_cast %get3A_608 : vector<1x512xf32> to vector<1x512xf32>
    %broadcast_in_dim3A_611 = vector.broadcast %broadcast_in_dim3A_610 : vector<1x512xf32> to vector<1250x512xf32>
    %broadcast_in_dim3A_612 = vector.broadcast %jit3A_609 : f32 to vector<1250x512xf32>
    %select_n3A_613 = arith.select %eq3A_605, %broadcast_in_dim3A_611, %broadcast_in_dim3A_612 : vector<1250x512xi1>, vector<1250x512xf32>
    %reduce_max3A_614 = arith.constant dense<0xFF800000> : vector<1250xf32>
    %reduce_max3A_615 = vector.multi_reduction <maximumf>, %select_n3A_613, %reduce_max3A_614 [1] : vector<1250x512xf32> to vector<1250xf32>
    %broadcast_in_dim3A_616 = vector.shape_cast %reduce_max3A_615 : vector<1250xf32> to vector<1250x1xf32>
    %get3A_617 = arith.constant 0 : index
    %get3A_618 = arith.constant 3 : index
    %get3A_619 = vector.load %arg8[%get3A_617, %get3A_618] : memref<1250x8xf32, #tpu.memory_space<vmem>>, vector<1250x1xf32>
    %sub3A_620 = arith.subf %get3A_619, %broadcast_in_dim3A_616 : vector<1250x1xf32>
    %exp3A_621 = math.exp %sub3A_620 : vector<1250x1xf32>
    %swap3A_622 = arith.constant 0 : index
    %swap3A_623 = arith.constant 3 : index
    %swap3A_624 = vector.load %arg9[%swap3A_622, %swap3A_623] : memref<1250x8xf32, #tpu.memory_space<vmem>>, vector<1250x1xf32>
    tpu.vector_store %arg9[%swap3A_622, %swap3A_623], %exp3A_621 {strides = array<i32>} : memref<1250x8xf32, #tpu.memory_space<vmem>>, vector<1250x1xf32>,
    %jit3A_625 = arith.constant 0.000000e+00 : f32
    %broadcast_in_dim3A_626 = vector.shape_cast %exp3A_621 : vector<1250x1xf32> to vector<1250x1xf32>
    %broadcast_in_dim3A_627 = vector.broadcast %broadcast_in_dim3A_626 : vector<1250x1xf32> to vector<1250x512xf32>
    %broadcast_in_dim3A_628 = vector.broadcast %jit3A_625 : f32 to vector<1250x512xf32>
    %select_n3A_629 = arith.select %eq3A_605, %broadcast_in_dim3A_627, %broadcast_in_dim3A_628 : vector<1250x512xi1>, vector<1250x512xf32>
    %reduce_sum3A_630 = arith.constant dense<0.000000e+00> : vector<512xf32>
    %reduce_sum3A_631 = vector.multi_reduction <add>, %select_n3A_629, %reduce_sum3A_630 [0] : vector<1250x512xf32> to vector<512xf32>
    %broadcast_in_dim3A_632 = vector.shape_cast %reduce_sum3A_631 : vector<512xf32> to vector<1x512xf32>
    %get3A_633 = arith.constant 0 : index
    %get3A_634 = arith.constant 0 : index
    %get3A_635 = vector.load %arg11[%get3A_633, %get3A_634] : memref<1x512xf32, #tpu.memory_space<vmem>>, vector<1x512xf32>
    %add3A_636 = arith.addf %get3A_635, %broadcast_in_dim3A_632 : vector<1x512xf32>
    %swap3A_637 = arith.constant 0 : index
    %swap3A_638 = arith.constant 0 : index
    %swap3A_639 = vector.load %arg11[%swap3A_637, %swap3A_638] : memref<1x512xf32, #tpu.memory_space<vmem>>, vector<1x512xf32>
    tpu.vector_store %arg11[%swap3A_637, %swap3A_638], %add3A_636 {strides = array<i32>} : memref<1x512xf32, #tpu.memory_space<vmem>>, vector<1x512xf32>,
    %get3A_640 = arith.constant 5000 : index
    %get3A_641 = arith.constant 0 : index
    %get3A_642 = vector.load %arg2[%get3A_640, %get3A_641] : memref<10000x1xi32, #tpu.memory_space<vmem>>, vector<1250x1xi32>
    %eq3A_643 = vector.broadcast %get3A_642 : vector<1250x1xi32> to vector<1250x512xi32>
    %eq3A_644 = vector.broadcast %iota3A : vector<1x512xi32> to vector<1250x512xi32>
    %eq3A_645 = arith.cmpi eq, %eq3A_643, %eq3A_644 : vector<1250x512xi32>
    %get3A_646 = arith.constant 0 : index
    %get3A_647 = arith.constant 0 : index
    %get3A_648 = vector.load %arg10[%get3A_646, %get3A_647] : memref<1x512xf32, #tpu.memory_space<vmem>>, vector<1x512xf32>
    %jit3A_649 = arith.constant -1.000000e+30 : f32
    %broadcast_in_dim3A_650 = vector.shape_cast %get3A_648 : vector<1x512xf32> to vector<1x512xf32>
    %broadcast_in_dim3A_651 = vector.broadcast %broadcast_in_dim3A_650 : vector<1x512xf32> to vector<1250x512xf32>
    %broadcast_in_dim3A_652 = vector.broadcast %jit3A_649 : f32 to vector<1250x512xf32>
    %select_n3A_653 = arith.select %eq3A_645, %broadcast_in_dim3A_651, %broadcast_in_dim3A_652 : vector<1250x512xi1>, vector<1250x512xf32>
    %reduce_max3A_654 = arith.constant dense<0xFF800000> : vector<1250xf32>
    %reduce_max3A_655 = vector.multi_reduction <maximumf>, %select_n3A_653, %reduce_max3A_654 [1] : vector<1250x512xf32> to vector<1250xf32>
    %broadcast_in_dim3A_656 = vector.shape_cast %reduce_max3A_655 : vector<1250xf32> to vector<1250x1xf32>
    %get3A_657 = arith.constant 0 : index
    %get3A_658 = arith.constant 4 : index
    %get3A_659 = vector.load %arg8[%get3A_657, %get3A_658] : memref<1250x8xf32, #tpu.memory_space<vmem>>, vector<1250x1xf32>
    %sub3A_660 = arith.subf %get3A_659, %broadcast_in_dim3A_656 : vector<1250x1xf32>
    %exp3A_661 = math.exp %sub3A_660 : vector<1250x1xf32>
    %swap3A_662 = arith.constant 0 : index
    %swap3A_663 = arith.constant 4 : index
    %swap3A_664 = vector.load %arg9[%swap3A_662, %swap3A_663] : memref<1250x8xf32, #tpu.memory_space<vmem>>, vector<1250x1xf32>
    tpu.vector_store %arg9[%swap3A_662, %swap3A_663], %exp3A_661 {strides = array<i32>} : memref<1250x8xf32, #tpu.memory_space<vmem>>, vector<1250x1xf32>,
    %jit3A_665 = arith.constant 0.000000e+00 : f32
    %broadcast_in_dim3A_666 = vector.shape_cast %exp3A_661 : vector<1250x1xf32> to vector<1250x1xf32>
    %broadcast_in_dim3A_667 = vector.broadcast %broadcast_in_dim3A_666 : vector<1250x1xf32> to vector<1250x512xf32>
    %broadcast_in_dim3A_668 = vector.broadcast %jit3A_665 : f32 to vector<1250x512xf32>
    %select_n3A_669 = arith.select %eq3A_645, %broadcast_in_dim3A_667, %broadcast_in_dim3A_668 : vector<1250x512xi1>, vector<1250x512xf32>
    %reduce_sum3A_670 = arith.constant dense<0.000000e+00> : vector<512xf32>
    %reduce_sum3A_671 = vector.multi_reduction <add>, %select_n3A_669, %reduce_sum3A_670 [0] : vector<1250x512xf32> to vector<512xf32>
    %broadcast_in_dim3A_672 = vector.shape_cast %reduce_sum3A_671 : vector<512xf32> to vector<1x512xf32>
    %get3A_673 = arith.constant 0 : index
    %get3A_674 = arith.constant 0 : index
    %get3A_675 = vector.load %arg11[%get3A_673, %get3A_674] : memref<1x512xf32, #tpu.memory_space<vmem>>, vector<1x512xf32>
    %add3A_676 = arith.addf %get3A_675, %broadcast_in_dim3A_672 : vector<1x512xf32>
    %swap3A_677 = arith.constant 0 : index
    %swap3A_678 = arith.constant 0 : index
    %swap3A_679 = vector.load %arg11[%swap3A_677, %swap3A_678] : memref<1x512xf32, #tpu.memory_space<vmem>>, vector<1x512xf32>
    tpu.vector_store %arg11[%swap3A_677, %swap3A_678], %add3A_676 {strides = array<i32>} : memref<1x512xf32, #tpu.memory_space<vmem>>, vector<1x512xf32>,
    %get3A_680 = arith.constant 6250 : index
    %get3A_681 = arith.constant 0 : index
    %get3A_682 = vector.load %arg2[%get3A_680, %get3A_681] : memref<10000x1xi32, #tpu.memory_space<vmem>>, vector<1250x1xi32>
    %eq3A_683 = vector.broadcast %get3A_682 : vector<1250x1xi32> to vector<1250x512xi32>
    %eq3A_684 = vector.broadcast %iota3A : vector<1x512xi32> to vector<1250x512xi32>
    %eq3A_685 = arith.cmpi eq, %eq3A_683, %eq3A_684 : vector<1250x512xi32>
    %get3A_686 = arith.constant 0 : index
    %get3A_687 = arith.constant 0 : index
    %get3A_688 = vector.load %arg10[%get3A_686, %get3A_687] : memref<1x512xf32, #tpu.memory_space<vmem>>, vector<1x512xf32>
    %jit3A_689 = arith.constant -1.000000e+30 : f32
    %broadcast_in_dim3A_690 = vector.shape_cast %get3A_688 : vector<1x512xf32> to vector<1x512xf32>
    %broadcast_in_dim3A_691 = vector.broadcast %broadcast_in_dim3A_690 : vector<1x512xf32> to vector<1250x512xf32>
    %broadcast_in_dim3A_692 = vector.broadcast %jit3A_689 : f32 to vector<1250x512xf32>
    %select_n3A_693 = arith.select %eq3A_685, %broadcast_in_dim3A_691, %broadcast_in_dim3A_692 : vector<1250x512xi1>, vector<1250x512xf32>
    %reduce_max3A_694 = arith.constant dense<0xFF800000> : vector<1250xf32>
    %reduce_max3A_695 = vector.multi_reduction <maximumf>, %select_n3A_693, %reduce_max3A_694 [1] : vector<1250x512xf32> to vector<1250xf32>
    %broadcast_in_dim3A_696 = vector.shape_cast %reduce_max3A_695 : vector<1250xf32> to vector<1250x1xf32>
    %get3A_697 = arith.constant 0 : index
    %get3A_698 = arith.constant 5 : index
    %get3A_699 = vector.load %arg8[%get3A_697, %get3A_698] : memref<1250x8xf32, #tpu.memory_space<vmem>>, vector<1250x1xf32>
    %sub3A_700 = arith.subf %get3A_699, %broadcast_in_dim3A_696 : vector<1250x1xf32>
    %exp3A_701 = math.exp %sub3A_700 : vector<1250x1xf32>
    %swap3A_702 = arith.constant 0 : index
    %swap3A_703 = arith.constant 5 : index
    %swap3A_704 = vector.load %arg9[%swap3A_702, %swap3A_703] : memref<1250x8xf32, #tpu.memory_space<vmem>>, vector<1250x1xf32>
    tpu.vector_store %arg9[%swap3A_702, %swap3A_703], %exp3A_701 {strides = array<i32>} : memref<1250x8xf32, #tpu.memory_space<vmem>>, vector<1250x1xf32>,
    %jit3A_705 = arith.constant 0.000000e+00 : f32
    %broadcast_in_dim3A_706 = vector.shape_cast %exp3A_701 : vector<1250x1xf32> to vector<1250x1xf32>
    %broadcast_in_dim3A_707 = vector.broadcast %broadcast_in_dim3A_706 : vector<1250x1xf32> to vector<1250x512xf32>
    %broadcast_in_dim3A_708 = vector.broadcast %jit3A_705 : f32 to vector<1250x512xf32>
    %select_n3A_709 = arith.select %eq3A_685, %broadcast_in_dim3A_707, %broadcast_in_dim3A_708 : vector<1250x512xi1>, vector<1250x512xf32>
    %reduce_sum3A_710 = arith.constant dense<0.000000e+00> : vector<512xf32>
    %reduce_sum3A_711 = vector.multi_reduction <add>, %select_n3A_709, %reduce_sum3A_710 [0] : vector<1250x512xf32> to vector<512xf32>
    %broadcast_in_dim3A_712 = vector.shape_cast %reduce_sum3A_711 : vector<512xf32> to vector<1x512xf32>
    %get3A_713 = arith.constant 0 : index
    %get3A_714 = arith.constant 0 : index
    %get3A_715 = vector.load %arg11[%get3A_713, %get3A_714] : memref<1x512xf32, #tpu.memory_space<vmem>>, vector<1x512xf32>
    %add3A_716 = arith.addf %get3A_715, %broadcast_in_dim3A_712 : vector<1x512xf32>
    %swap3A_717 = arith.constant 0 : index
    %swap3A_718 = arith.constant 0 : index
    %swap3A_719 = vector.load %arg11[%swap3A_717, %swap3A_718] : memref<1x512xf32, #tpu.memory_space<vmem>>, vector<1x512xf32>
    tpu.vector_store %arg11[%swap3A_717, %swap3A_718], %add3A_716 {strides = array<i32>} : memref<1x512xf32, #tpu.memory_space<vmem>>, vector<1x512xf32>,
    %get3A_720 = arith.constant 7500 : index
    %get3A_721 = arith.constant 0 : index
    %get3A_722 = vector.load %arg2[%get3A_720, %get3A_721] : memref<10000x1xi32, #tpu.memory_space<vmem>>, vector<1250x1xi32>
    %eq3A_723 = vector.broadcast %get3A_722 : vector<1250x1xi32> to vector<1250x512xi32>
    %eq3A_724 = vector.broadcast %iota3A : vector<1x512xi32> to vector<1250x512xi32>
    %eq3A_725 = arith.cmpi eq, %eq3A_723, %eq3A_724 : vector<1250x512xi32>
    %get3A_726 = arith.constant 0 : index
    %get3A_727 = arith.constant 0 : index
    %get3A_728 = vector.load %arg10[%get3A_726, %get3A_727] : memref<1x512xf32, #tpu.memory_space<vmem>>, vector<1x512xf32>
    %jit3A_729 = arith.constant -1.000000e+30 : f32
    %broadcast_in_dim3A_730 = vector.shape_cast %get3A_728 : vector<1x512xf32> to vector<1x512xf32>
    %broadcast_in_dim3A_731 = vector.broadcast %broadcast_in_dim3A_730 : vector<1x512xf32> to vector<1250x512xf32>
    %broadcast_in_dim3A_732 = vector.broadcast %jit3A_729 : f32 to vector<1250x512xf32>
    %select_n3A_733 = arith.select %eq3A_725, %broadcast_in_dim3A_731, %broadcast_in_dim3A_732 : vector<1250x512xi1>, vector<1250x512xf32>
    %reduce_max3A_734 = arith.constant dense<0xFF800000> : vector<1250xf32>
    %reduce_max3A_735 = vector.multi_reduction <maximumf>, %select_n3A_733, %reduce_max3A_734 [1] : vector<1250x512xf32> to vector<1250xf32>
    %broadcast_in_dim3A_736 = vector.shape_cast %reduce_max3A_735 : vector<1250xf32> to vector<1250x1xf32>
    %get3A_737 = arith.constant 0 : index
    %get3A_738 = arith.constant 6 : index
    %get3A_739 = vector.load %arg8[%get3A_737, %get3A_738] : memref<1250x8xf32, #tpu.memory_space<vmem>>, vector<1250x1xf32>
    %sub3A_740 = arith.subf %get3A_739, %broadcast_in_dim3A_736 : vector<1250x1xf32>
    %exp3A_741 = math.exp %sub3A_740 : vector<1250x1xf32>
    %swap3A_742 = arith.constant 0 : index
    %swap3A_743 = arith.constant 6 : index
    %swap3A_744 = vector.load %arg9[%swap3A_742, %swap3A_743] : memref<1250x8xf32, #tpu.memory_space<vmem>>, vector<1250x1xf32>
    tpu.vector_store %arg9[%swap3A_742, %swap3A_743], %exp3A_741 {strides = array<i32>} : memref<1250x8xf32, #tpu.memory_space<vmem>>, vector<1250x1xf32>,
    %jit3A_745 = arith.constant 0.000000e+00 : f32
    %broadcast_in_dim3A_746 = vector.shape_cast %exp3A_741 : vector<1250x1xf32> to vector<1250x1xf32>
    %broadcast_in_dim3A_747 = vector.broadcast %broadcast_in_dim3A_746 : vector<1250x1xf32> to vector<1250x512xf32>
    %broadcast_in_dim3A_748 = vector.broadcast %jit3A_745 : f32 to vector<1250x512xf32>
    %select_n3A_749 = arith.select %eq3A_725, %broadcast_in_dim3A_747, %broadcast_in_dim3A_748 : vector<1250x512xi1>, vector<1250x512xf32>
    %reduce_sum3A_750 = arith.constant dense<0.000000e+00> : vector<512xf32>
    %reduce_sum3A_751 = vector.multi_reduction <add>, %select_n3A_749, %reduce_sum3A_750 [0] : vector<1250x512xf32> to vector<512xf32>
    %broadcast_in_dim3A_752 = vector.shape_cast %reduce_sum3A_751 : vector<512xf32> to vector<1x512xf32>
    %get3A_753 = arith.constant 0 : index
    %get3A_754 = arith.constant 0 : index
    %get3A_755 = vector.load %arg11[%get3A_753, %get3A_754] : memref<1x512xf32, #tpu.memory_space<vmem>>, vector<1x512xf32>
    %add3A_756 = arith.addf %get3A_755, %broadcast_in_dim3A_752 : vector<1x512xf32>
    %swap3A_757 = arith.constant 0 : index
    %swap3A_758 = arith.constant 0 : index
    %swap3A_759 = vector.load %arg11[%swap3A_757, %swap3A_758] : memref<1x512xf32, #tpu.memory_space<vmem>>, vector<1x512xf32>
    tpu.vector_store %arg11[%swap3A_757, %swap3A_758], %add3A_756 {strides = array<i32>} : memref<1x512xf32, #tpu.memory_space<vmem>>, vector<1x512xf32>,
    %get3A_760 = arith.constant 8750 : index
    %get3A_761 = arith.constant 0 : index
    %get3A_762 = vector.load %arg2[%get3A_760, %get3A_761] : memref<10000x1xi32, #tpu.memory_space<vmem>>, vector<1250x1xi32>
    %eq3A_763 = vector.broadcast %get3A_762 : vector<1250x1xi32> to vector<1250x512xi32>
    %eq3A_764 = vector.broadcast %iota3A : vector<1x512xi32> to vector<1250x512xi32>
    %eq3A_765 = arith.cmpi eq, %eq3A_763, %eq3A_764 : vector<1250x512xi32>
    %get3A_766 = arith.constant 0 : index
    %get3A_767 = arith.constant 0 : index
    %get3A_768 = vector.load %arg10[%get3A_766, %get3A_767] : memref<1x512xf32, #tpu.memory_space<vmem>>, vector<1x512xf32>
    %jit3A_769 = arith.constant -1.000000e+30 : f32
    %broadcast_in_dim3A_770 = vector.shape_cast %get3A_768 : vector<1x512xf32> to vector<1x512xf32>
    %broadcast_in_dim3A_771 = vector.broadcast %broadcast_in_dim3A_770 : vector<1x512xf32> to vector<1250x512xf32>
    %broadcast_in_dim3A_772 = vector.broadcast %jit3A_769 : f32 to vector<1250x512xf32>
    %select_n3A_773 = arith.select %eq3A_765, %broadcast_in_dim3A_771, %broadcast_in_dim3A_772 : vector<1250x512xi1>, vector<1250x512xf32>
    %reduce_max3A_774 = arith.constant dense<0xFF800000> : vector<1250xf32>
    %reduce_max3A_775 = vector.multi_reduction <maximumf>, %select_n3A_773, %reduce_max3A_774 [1] : vector<1250x512xf32> to vector<1250xf32>
    %broadcast_in_dim3A_776 = vector.shape_cast %reduce_max3A_775 : vector<1250xf32> to vector<1250x1xf32>
    %get3A_777 = arith.constant 0 : index
    %get3A_778 = arith.constant 7 : index
    %get3A_779 = vector.load %arg8[%get3A_777, %get3A_778] : memref<1250x8xf32, #tpu.memory_space<vmem>>, vector<1250x1xf32>
    %sub3A_780 = arith.subf %get3A_779, %broadcast_in_dim3A_776 : vector<1250x1xf32>
    %exp3A_781 = math.exp %sub3A_780 : vector<1250x1xf32>
    %swap3A_782 = arith.constant 0 : index
    %swap3A_783 = arith.constant 7 : index
    %swap3A_784 = vector.load %arg9[%swap3A_782, %swap3A_783] : memref<1250x8xf32, #tpu.memory_space<vmem>>, vector<1250x1xf32>
    tpu.vector_store %arg9[%swap3A_782, %swap3A_783], %exp3A_781 {strides = array<i32>} : memref<1250x8xf32, #tpu.memory_space<vmem>>, vector<1250x1xf32>,
    %jit3A_785 = arith.constant 0.000000e+00 : f32
    %broadcast_in_dim3A_786 = vector.shape_cast %exp3A_781 : vector<1250x1xf32> to vector<1250x1xf32>
    %broadcast_in_dim3A_787 = vector.broadcast %broadcast_in_dim3A_786 : vector<1250x1xf32> to vector<1250x512xf32>
    %broadcast_in_dim3A_788 = vector.broadcast %jit3A_785 : f32 to vector<1250x512xf32>
    %select_n3A_789 = arith.select %eq3A_765, %broadcast_in_dim3A_787, %broadcast_in_dim3A_788 : vector<1250x512xi1>, vector<1250x512xf32>
    %reduce_sum3A_790 = arith.constant dense<0.000000e+00> : vector<512xf32>
    %reduce_sum3A_791 = vector.multi_reduction <add>, %select_n3A_789, %reduce_sum3A_790 [0] : vector<1250x512xf32> to vector<512xf32>
    %broadcast_in_dim3A_792 = vector.shape_cast %reduce_sum3A_791 : vector<512xf32> to vector<1x512xf32>
    %get3A_793 = arith.constant 0 : index
    %get3A_794 = arith.constant 0 : index
    %get3A_795 = vector.load %arg11[%get3A_793, %get3A_794] : memref<1x512xf32, #tpu.memory_space<vmem>>, vector<1x512xf32>
    %add3A_796 = arith.addf %get3A_795, %broadcast_in_dim3A_792 : vector<1x512xf32>
    %swap3A_797 = arith.constant 0 : index
    %swap3A_798 = arith.constant 0 : index
    %swap3A_799 = vector.load %arg11[%swap3A_797, %swap3A_798] : memref<1x512xf32, #tpu.memory_space<vmem>>, vector<1x512xf32>
    tpu.vector_store %arg11[%swap3A_797, %swap3A_798], %add3A_796 {strides = array<i32>} : memref<1x512xf32, #tpu.memory_space<vmem>>, vector<1x512xf32>,
    %get3A_800 = arith.constant 0 : index
    %get3A_801 = arith.constant 0 : index
    %get3A_802 = vector.load %arg2[%get3A_800, %get3A_801] : memref<10000x1xi32, #tpu.memory_space<vmem>>, vector<1250x1xi32>
    %eq3A_803 = vector.broadcast %get3A_802 : vector<1250x1xi32> to vector<1250x512xi32>
    %eq3A_804 = vector.broadcast %iota3A : vector<1x512xi32> to vector<1250x512xi32>
    %eq3A_805 = arith.cmpi eq, %eq3A_803, %eq3A_804 : vector<1250x512xi32>
    %get3A_806 = arith.constant 0 : index
    %get3A_807 = arith.constant 0 : index
    %get3A_808 = vector.load %arg11[%get3A_806, %get3A_807] : memref<1x512xf32, #tpu.memory_space<vmem>>, vector<1x512xf32>
    %jit3A_809 = arith.constant 0.000000e+00 : f32
    %broadcast_in_dim3A_810 = vector.shape_cast %get3A_808 : vector<1x512xf32> to vector<1x512xf32>
    %broadcast_in_dim3A_811 = vector.broadcast %broadcast_in_dim3A_810 : vector<1x512xf32> to vector<1250x512xf32>
    %broadcast_in_dim3A_812 = vector.broadcast %jit3A_809 : f32 to vector<1250x512xf32>
    %select_n3A_813 = arith.select %eq3A_805, %broadcast_in_dim3A_811, %broadcast_in_dim3A_812 : vector<1250x512xi1>, vector<1250x512xf32>
    %reduce_sum3A_814 = arith.constant dense<0.000000e+00> : vector<1250xf32>
    %reduce_sum3A_815 = vector.multi_reduction <add>, %select_n3A_813, %reduce_sum3A_814 [1] : vector<1250x512xf32> to vector<1250xf32>
    %broadcast_in_dim3A_816 = vector.shape_cast %reduce_sum3A_815 : vector<1250xf32> to vector<1250x1xf32>
    %get3A_817 = arith.constant 0 : index
    %get3A_818 = arith.constant 0 : index
    %get3A_819 = vector.load %arg9[%get3A_817, %get3A_818] : memref<1250x8xf32, #tpu.memory_space<vmem>>, vector<1250x1xf32>
    %div3A_820 = arith.divf %get3A_819, %broadcast_in_dim3A_816 : vector<1250x1xf32>
    %convert_element_type3A_821 = arith.extui %eq3A_805 : vector<1250x512xi1> to vector<1250x512xi32>
    %convert_element_type3A_822 = arith.sitofp %convert_element_type3A_821 : vector<1250x512xi32> to vector<1250x512xf32>
    %dot_general3A_823 = arith.constant dense<0.000000e+00> : vector<1250x128xf32>
    %dot_general3A_824 = tpu.matmul %convert_element_type3A_822, %get3A_1, %dot_general3A_823 {dimension_numbers = #tpu.dot_dimension_numbers<[1], [0], [0], [1], [0, 0, 1, 1], [], []>, transpose_lhs_hint = false} : vector<1250x512xf32>, vector<512x128xf32>, vector<1250x128xf32> -> vector<1250x128xf32>
    %get3A_825 = arith.constant 0 : index
    %get3A_826 = arith.constant 0 : index
    %get3A_827 = arith.constant 0 : index
    %get3A_828 = vector.load %arg0[%get3A_825, %get3A_826, %get3A_827] : memref<2x10016x144xf32, #tpu.memory_space<vmem>>, vector<1x1250x144xf32>
    %get3A_829 = vector.shape_cast %get3A_828 : vector<1x1250x144xf32> to vector<1250x144xf32>
    %get3A_830 = arith.constant 1 : index
    %get3A_831 = arith.constant 0 : index
    %get3A_832 = arith.constant 0 : index
    %get3A_833 = vector.load %arg0[%get3A_830, %get3A_831, %get3A_832] : memref<2x10016x144xf32, #tpu.memory_space<vmem>>, vector<1x1250x144xf32>
    %get3A_834 = vector.shape_cast %get3A_833 : vector<1x1250x144xf32> to vector<1250x144xf32>
    %slice3A_835 = vector.extract_strided_slice %get3A_829 {offsets = [0, 0], sizes = [1250, 128], strides = [1, 1]} : vector<1250x144xf32> to vector<1250x128xf32>
    %slice3A_836 = vector.extract_strided_slice %get3A_834 {offsets = [0, 0], sizes = [1250, 128], strides = [1, 1]} : vector<1250x144xf32> to vector<1250x128xf32>
    %add3A_837 = arith.addf %slice3A_835, %slice3A_836 : vector<1250x128xf32>
    %slice3A_838 = vector.extract_strided_slice %get3A_829 {offsets = [0, 128], sizes = [1250, 1], strides = [1, 1]} : vector<1250x144xf32> to vector<1250x1xf32>
    %slice3A_839 = vector.extract_strided_slice %get3A_834 {offsets = [0, 128], sizes = [1250, 1], strides = [1, 1]} : vector<1250x144xf32> to vector<1250x1xf32>
    %add3A_840 = arith.addf %slice3A_838, %slice3A_839 : vector<1250x1xf32>
    %max3A_841 = arith.constant 1.000000e+00 : f32
    %max3A_842 = vector.broadcast %max3A_841 : f32 to vector<1250x1xf32>
    %max3A_843 = arith.maximumf %add3A_840, %max3A_842 : vector<1250x1xf32>
    %div3A_844 = vector.broadcast %max3A_843 : vector<1250x1xf32> to vector<1250x128xf32>
    %div3A_845 = arith.divf %add3A_837, %div3A_844 : vector<1250x128xf32>
    %get3A_846 = arith.constant 0 : index
    %get3A_847 = arith.constant 0 : index
    %get3A_848 = vector.load %arg1[%get3A_846, %get3A_847] : memref<10016x128xf32, #tpu.memory_space<vmem>>, vector<1250x128xf32>
    %add3A_849 = arith.addf %div3A_845, %get3A_848 : vector<1250x128xf32>
    %mul3A_850 = vector.broadcast %div3A_820 : vector<1250x1xf32> to vector<1250x128xf32>
    %mul3A_851 = arith.mulf %mul3A_850, %dot_general3A_824 : vector<1250x128xf32>
    %add3A_852 = arith.addf %add3A_849, %mul3A_851 : vector<1250x128xf32>
    %dot_general3A_853 = arith.constant dense<0.000000e+00> : vector<1250x128xf32>
    %dot_general3A_854 = tpu.matmul %add3A_852, %get3A_7, %dot_general3A_853 {dimension_numbers = #tpu.dot_dimension_numbers<[1], [0], [0], [1], [0, 0, 1, 1], [], []>, transpose_lhs_hint = false} : vector<1250x128xf32>, vector<128x128xf32>, vector<1250x128xf32> -> vector<1250x128xf32>
    %swap3A_855 = arith.constant 0 : index
    %swap3A_856 = arith.constant 0 : index
    %swap3A_857 = vector.load %arg6[%swap3A_855, %swap3A_856] : memref<10000x128xf32, #tpu.memory_space<vmem>>, vector<1250x128xf32>
    tpu.vector_store %arg6[%swap3A_855, %swap3A_856], %dot_general3A_854 {strides = array<i32>} : memref<10000x128xf32, #tpu.memory_space<vmem>>, vector<1250x128xf32>,
    %swap3A_858 = arith.constant 0 : index
    %swap3A_859 = arith.constant 0 : index
    %swap3A_860 = vector.load %arg7[%swap3A_858, %swap3A_859] : memref<10000x1xf32, #tpu.memory_space<vmem>>, vector<1250x1xf32>
    tpu.vector_store %arg7[%swap3A_858, %swap3A_859], %div3A_820 {strides = array<i32>} : memref<10000x1xf32, #tpu.memory_space<vmem>>, vector<1250x1xf32>,
    %get3A_861 = arith.constant 1250 : index
    %get3A_862 = arith.constant 0 : index
    %get3A_863 = vector.load %arg2[%get3A_861, %get3A_862] : memref<10000x1xi32, #tpu.memory_space<vmem>>, vector<1250x1xi32>
    %eq3A_864 = vector.broadcast %get3A_863 : vector<1250x1xi32> to vector<1250x512xi32>
    %eq3A_865 = vector.broadcast %iota3A : vector<1x512xi32> to vector<1250x512xi32>
    %eq3A_866 = arith.cmpi eq, %eq3A_864, %eq3A_865 : vector<1250x512xi32>
    %get3A_867 = arith.constant 0 : index
    %get3A_868 = arith.constant 0 : index
    %get3A_869 = vector.load %arg11[%get3A_867, %get3A_868] : memref<1x512xf32, #tpu.memory_space<vmem>>, vector<1x512xf32>
    %jit3A_870 = arith.constant 0.000000e+00 : f32
    %broadcast_in_dim3A_871 = vector.shape_cast %get3A_869 : vector<1x512xf32> to vector<1x512xf32>
    %broadcast_in_dim3A_872 = vector.broadcast %broadcast_in_dim3A_871 : vector<1x512xf32> to vector<1250x512xf32>
    %broadcast_in_dim3A_873 = vector.broadcast %jit3A_870 : f32 to vector<1250x512xf32>
    %select_n3A_874 = arith.select %eq3A_866, %broadcast_in_dim3A_872, %broadcast_in_dim3A_873 : vector<1250x512xi1>, vector<1250x512xf32>
    %reduce_sum3A_875 = arith.constant dense<0.000000e+00> : vector<1250xf32>
    %reduce_sum3A_876 = vector.multi_reduction <add>, %select_n3A_874, %reduce_sum3A_875 [1] : vector<1250x512xf32> to vector<1250xf32>
    %broadcast_in_dim3A_877 = vector.shape_cast %reduce_sum3A_876 : vector<1250xf32> to vector<1250x1xf32>
    %get3A_878 = arith.constant 0 : index
    %get3A_879 = arith.constant 1 : index
    %get3A_880 = vector.load %arg9[%get3A_878, %get3A_879] : memref<1250x8xf32, #tpu.memory_space<vmem>>, vector<1250x1xf32>
    %div3A_881 = arith.divf %get3A_880, %broadcast_in_dim3A_877 : vector<1250x1xf32>
    %convert_element_type3A_882 = arith.extui %eq3A_866 : vector<1250x512xi1> to vector<1250x512xi32>
    %convert_element_type3A_883 = arith.sitofp %convert_element_type3A_882 : vector<1250x512xi32> to vector<1250x512xf32>
    %dot_general3A_884 = arith.constant dense<0.000000e+00> : vector<1250x128xf32>
    %dot_general3A_885 = tpu.matmul %convert_element_type3A_883, %get3A_1, %dot_general3A_884 {dimension_numbers = #tpu.dot_dimension_numbers<[1], [0], [0], [1], [0, 0, 1, 1], [], []>, transpose_lhs_hint = false} : vector<1250x512xf32>, vector<512x128xf32>, vector<1250x128xf32> -> vector<1250x128xf32>
    %get3A_886 = arith.constant 0 : index
    %get3A_887 = arith.constant 1250 : index
    %get3A_888 = arith.constant 0 : index
    %get3A_889 = vector.load %arg0[%get3A_886, %get3A_887, %get3A_888] : memref<2x10016x144xf32, #tpu.memory_space<vmem>>, vector<1x1250x144xf32>
    %get3A_890 = vector.shape_cast %get3A_889 : vector<1x1250x144xf32> to vector<1250x144xf32>
    %get3A_891 = arith.constant 1 : index
    %get3A_892 = arith.constant 1250 : index
    %get3A_893 = arith.constant 0 : index
    %get3A_894 = vector.load %arg0[%get3A_891, %get3A_892, %get3A_893] : memref<2x10016x144xf32, #tpu.memory_space<vmem>>, vector<1x1250x144xf32>
    %get3A_895 = vector.shape_cast %get3A_894 : vector<1x1250x144xf32> to vector<1250x144xf32>
    %slice3A_896 = vector.extract_strided_slice %get3A_890 {offsets = [0, 0], sizes = [1250, 128], strides = [1, 1]} : vector<1250x144xf32> to vector<1250x128xf32>
    %slice3A_897 = vector.extract_strided_slice %get3A_895 {offsets = [0, 0], sizes = [1250, 128], strides = [1, 1]} : vector<1250x144xf32> to vector<1250x128xf32>
    %add3A_898 = arith.addf %slice3A_896, %slice3A_897 : vector<1250x128xf32>
    %slice3A_899 = vector.extract_strided_slice %get3A_890 {offsets = [0, 128], sizes = [1250, 1], strides = [1, 1]} : vector<1250x144xf32> to vector<1250x1xf32>
    %slice3A_900 = vector.extract_strided_slice %get3A_895 {offsets = [0, 128], sizes = [1250, 1], strides = [1, 1]} : vector<1250x144xf32> to vector<1250x1xf32>
    %add3A_901 = arith.addf %slice3A_899, %slice3A_900 : vector<1250x1xf32>
    %max3A_902 = arith.constant 1.000000e+00 : f32
    %max3A_903 = vector.broadcast %max3A_902 : f32 to vector<1250x1xf32>
    %max3A_904 = arith.maximumf %add3A_901, %max3A_903 : vector<1250x1xf32>
    %div3A_905 = vector.broadcast %max3A_904 : vector<1250x1xf32> to vector<1250x128xf32>
    %div3A_906 = arith.divf %add3A_898, %div3A_905 : vector<1250x128xf32>
    %get3A_907 = arith.constant 1250 : index
    %get3A_908 = arith.constant 0 : index
    %get3A_909 = vector.load %arg1[%get3A_907, %get3A_908] : memref<10016x128xf32, #tpu.memory_space<vmem>>, vector<1250x128xf32>
    %add3A_910 = arith.addf %div3A_906, %get3A_909 : vector<1250x128xf32>
    %mul3A_911 = vector.broadcast %div3A_881 : vector<1250x1xf32> to vector<1250x128xf32>
    %mul3A_912 = arith.mulf %mul3A_911, %dot_general3A_885 : vector<1250x128xf32>
    %add3A_913 = arith.addf %add3A_910, %mul3A_912 : vector<1250x128xf32>
    %dot_general3A_914 = arith.constant dense<0.000000e+00> : vector<1250x128xf32>
    %dot_general3A_915 = tpu.matmul %add3A_913, %get3A_7, %dot_general3A_914 {dimension_numbers = #tpu.dot_dimension_numbers<[1], [0], [0], [1], [0, 0, 1, 1], [], []>, transpose_lhs_hint = false} : vector<1250x128xf32>, vector<128x128xf32>, vector<1250x128xf32> -> vector<1250x128xf32>
    %swap3A_916 = arith.constant 1250 : index
    %swap3A_917 = arith.constant 0 : index
    %swap3A_918 = vector.load %arg6[%swap3A_916, %swap3A_917] : memref<10000x128xf32, #tpu.memory_space<vmem>>, vector<1250x128xf32>
    tpu.vector_store %arg6[%swap3A_916, %swap3A_917], %dot_general3A_915 {strides = array<i32>} : memref<10000x128xf32, #tpu.memory_space<vmem>>, vector<1250x128xf32>,
    %swap3A_919 = arith.constant 1250 : index
    %swap3A_920 = arith.constant 0 : index
    %swap3A_921 = vector.load %arg7[%swap3A_919, %swap3A_920] : memref<10000x1xf32, #tpu.memory_space<vmem>>, vector<1250x1xf32>
    tpu.vector_store %arg7[%swap3A_919, %swap3A_920], %div3A_881 {strides = array<i32>} : memref<10000x1xf32, #tpu.memory_space<vmem>>, vector<1250x1xf32>,
    %get3A_922 = arith.constant 2500 : index
    %get3A_923 = arith.constant 0 : index
    %get3A_924 = vector.load %arg2[%get3A_922, %get3A_923] : memref<10000x1xi32, #tpu.memory_space<vmem>>, vector<1250x1xi32>
    %eq3A_925 = vector.broadcast %get3A_924 : vector<1250x1xi32> to vector<1250x512xi32>
    %eq3A_926 = vector.broadcast %iota3A : vector<1x512xi32> to vector<1250x512xi32>
    %eq3A_927 = arith.cmpi eq, %eq3A_925, %eq3A_926 : vector<1250x512xi32>
    %get3A_928 = arith.constant 0 : index
    %get3A_929 = arith.constant 0 : index
    %get3A_930 = vector.load %arg11[%get3A_928, %get3A_929] : memref<1x512xf32, #tpu.memory_space<vmem>>, vector<1x512xf32>
    %jit3A_931 = arith.constant 0.000000e+00 : f32
    %broadcast_in_dim3A_932 = vector.shape_cast %get3A_930 : vector<1x512xf32> to vector<1x512xf32>
    %broadcast_in_dim3A_933 = vector.broadcast %broadcast_in_dim3A_932 : vector<1x512xf32> to vector<1250x512xf32>
    %broadcast_in_dim3A_934 = vector.broadcast %jit3A_931 : f32 to vector<1250x512xf32>
    %select_n3A_935 = arith.select %eq3A_927, %broadcast_in_dim3A_933, %broadcast_in_dim3A_934 : vector<1250x512xi1>, vector<1250x512xf32>
    %reduce_sum3A_936 = arith.constant dense<0.000000e+00> : vector<1250xf32>
    %reduce_sum3A_937 = vector.multi_reduction <add>, %select_n3A_935, %reduce_sum3A_936 [1] : vector<1250x512xf32> to vector<1250xf32>
    %broadcast_in_dim3A_938 = vector.shape_cast %reduce_sum3A_937 : vector<1250xf32> to vector<1250x1xf32>
    %get3A_939 = arith.constant 0 : index
    %get3A_940 = arith.constant 2 : index
    %get3A_941 = vector.load %arg9[%get3A_939, %get3A_940] : memref<1250x8xf32, #tpu.memory_space<vmem>>, vector<1250x1xf32>
    %div3A_942 = arith.divf %get3A_941, %broadcast_in_dim3A_938 : vector<1250x1xf32>
    %convert_element_type3A_943 = arith.extui %eq3A_927 : vector<1250x512xi1> to vector<1250x512xi32>
    %convert_element_type3A_944 = arith.sitofp %convert_element_type3A_943 : vector<1250x512xi32> to vector<1250x512xf32>
    %dot_general3A_945 = arith.constant dense<0.000000e+00> : vector<1250x128xf32>
    %dot_general3A_946 = tpu.matmul %convert_element_type3A_944, %get3A_1, %dot_general3A_945 {dimension_numbers = #tpu.dot_dimension_numbers<[1], [0], [0], [1], [0, 0, 1, 1], [], []>, transpose_lhs_hint = false} : vector<1250x512xf32>, vector<512x128xf32>, vector<1250x128xf32> -> vector<1250x128xf32>
    %get3A_947 = arith.constant 0 : index
    %get3A_948 = arith.constant 2500 : index
    %get3A_949 = arith.constant 0 : index
    %get3A_950 = vector.load %arg0[%get3A_947, %get3A_948, %get3A_949] : memref<2x10016x144xf32, #tpu.memory_space<vmem>>, vector<1x1250x144xf32>
    %get3A_951 = vector.shape_cast %get3A_950 : vector<1x1250x144xf32> to vector<1250x144xf32>
    %get3A_952 = arith.constant 1 : index
    %get3A_953 = arith.constant 2500 : index
    %get3A_954 = arith.constant 0 : index
    %get3A_955 = vector.load %arg0[%get3A_952, %get3A_953, %get3A_954] : memref<2x10016x144xf32, #tpu.memory_space<vmem>>, vector<1x1250x144xf32>
    %get3A_956 = vector.shape_cast %get3A_955 : vector<1x1250x144xf32> to vector<1250x144xf32>
    %slice3A_957 = vector.extract_strided_slice %get3A_951 {offsets = [0, 0], sizes = [1250, 128], strides = [1, 1]} : vector<1250x144xf32> to vector<1250x128xf32>
    %slice3A_958 = vector.extract_strided_slice %get3A_956 {offsets = [0, 0], sizes = [1250, 128], strides = [1, 1]} : vector<1250x144xf32> to vector<1250x128xf32>
    %add3A_959 = arith.addf %slice3A_957, %slice3A_958 : vector<1250x128xf32>
    %slice3A_960 = vector.extract_strided_slice %get3A_951 {offsets = [0, 128], sizes = [1250, 1], strides = [1, 1]} : vector<1250x144xf32> to vector<1250x1xf32>
    %slice3A_961 = vector.extract_strided_slice %get3A_956 {offsets = [0, 128], sizes = [1250, 1], strides = [1, 1]} : vector<1250x144xf32> to vector<1250x1xf32>
    %add3A_962 = arith.addf %slice3A_960, %slice3A_961 : vector<1250x1xf32>
    %max3A_963 = arith.constant 1.000000e+00 : f32
    %max3A_964 = vector.broadcast %max3A_963 : f32 to vector<1250x1xf32>
    %max3A_965 = arith.maximumf %add3A_962, %max3A_964 : vector<1250x1xf32>
    %div3A_966 = vector.broadcast %max3A_965 : vector<1250x1xf32> to vector<1250x128xf32>
    %div3A_967 = arith.divf %add3A_959, %div3A_966 : vector<1250x128xf32>
    %get3A_968 = arith.constant 2500 : index
    %get3A_969 = arith.constant 0 : index
    %get3A_970 = vector.load %arg1[%get3A_968, %get3A_969] : memref<10016x128xf32, #tpu.memory_space<vmem>>, vector<1250x128xf32>
    %add3A_971 = arith.addf %div3A_967, %get3A_970 : vector<1250x128xf32>
    %mul3A_972 = vector.broadcast %div3A_942 : vector<1250x1xf32> to vector<1250x128xf32>
    %mul3A_973 = arith.mulf %mul3A_972, %dot_general3A_946 : vector<1250x128xf32>
    %add3A_974 = arith.addf %add3A_971, %mul3A_973 : vector<1250x128xf32>
    %dot_general3A_975 = arith.constant dense<0.000000e+00> : vector<1250x128xf32>
    %dot_general3A_976 = tpu.matmul %add3A_974, %get3A_7, %dot_general3A_975 {dimension_numbers = #tpu.dot_dimension_numbers<[1], [0], [0], [1], [0, 0, 1, 1], [], []>, transpose_lhs_hint = false} : vector<1250x128xf32>, vector<128x128xf32>, vector<1250x128xf32> -> vector<1250x128xf32>
    %swap3A_977 = arith.constant 2500 : index
    %swap3A_978 = arith.constant 0 : index
    %swap3A_979 = vector.load %arg6[%swap3A_977, %swap3A_978] : memref<10000x128xf32, #tpu.memory_space<vmem>>, vector<1250x128xf32>
    tpu.vector_store %arg6[%swap3A_977, %swap3A_978], %dot_general3A_976 {strides = array<i32>} : memref<10000x128xf32, #tpu.memory_space<vmem>>, vector<1250x128xf32>,
    %swap3A_980 = arith.constant 2500 : index
    %swap3A_981 = arith.constant 0 : index
    %swap3A_982 = vector.load %arg7[%swap3A_980, %swap3A_981] : memref<10000x1xf32, #tpu.memory_space<vmem>>, vector<1250x1xf32>
    tpu.vector_store %arg7[%swap3A_980, %swap3A_981], %div3A_942 {strides = array<i32>} : memref<10000x1xf32, #tpu.memory_space<vmem>>, vector<1250x1xf32>,
    %get3A_983 = arith.constant 3750 : index
    %get3A_984 = arith.constant 0 : index
    %get3A_985 = vector.load %arg2[%get3A_983, %get3A_984] : memref<10000x1xi32, #tpu.memory_space<vmem>>, vector<1250x1xi32>
    %eq3A_986 = vector.broadcast %get3A_985 : vector<1250x1xi32> to vector<1250x512xi32>
    %eq3A_987 = vector.broadcast %iota3A : vector<1x512xi32> to vector<1250x512xi32>
    %eq3A_988 = arith.cmpi eq, %eq3A_986, %eq3A_987 : vector<1250x512xi32>
    %get3A_989 = arith.constant 0 : index
    %get3A_990 = arith.constant 0 : index
    %get3A_991 = vector.load %arg11[%get3A_989, %get3A_990] : memref<1x512xf32, #tpu.memory_space<vmem>>, vector<1x512xf32>
    %jit3A_992 = arith.constant 0.000000e+00 : f32
    %broadcast_in_dim3A_993 = vector.shape_cast %get3A_991 : vector<1x512xf32> to vector<1x512xf32>
    %broadcast_in_dim3A_994 = vector.broadcast %broadcast_in_dim3A_993 : vector<1x512xf32> to vector<1250x512xf32>
    %broadcast_in_dim3A_995 = vector.broadcast %jit3A_992 : f32 to vector<1250x512xf32>
    %select_n3A_996 = arith.select %eq3A_988, %broadcast_in_dim3A_994, %broadcast_in_dim3A_995 : vector<1250x512xi1>, vector<1250x512xf32>
    %reduce_sum3A_997 = arith.constant dense<0.000000e+00> : vector<1250xf32>
    %reduce_sum3A_998 = vector.multi_reduction <add>, %select_n3A_996, %reduce_sum3A_997 [1] : vector<1250x512xf32> to vector<1250xf32>
    %broadcast_in_dim3A_999 = vector.shape_cast %reduce_sum3A_998 : vector<1250xf32> to vector<1250x1xf32>
    %get3A_1000 = arith.constant 0 : index
    %get3A_1001 = arith.constant 3 : index
    %get3A_1002 = vector.load %arg9[%get3A_1000, %get3A_1001] : memref<1250x8xf32, #tpu.memory_space<vmem>>, vector<1250x1xf32>
    %div3A_1003 = arith.divf %get3A_1002, %broadcast_in_dim3A_999 : vector<1250x1xf32>
    %convert_element_type3A_1004 = arith.extui %eq3A_988 : vector<1250x512xi1> to vector<1250x512xi32>
    %convert_element_type3A_1005 = arith.sitofp %convert_element_type3A_1004 : vector<1250x512xi32> to vector<1250x512xf32>
    %dot_general3A_1006 = arith.constant dense<0.000000e+00> : vector<1250x128xf32>
    %dot_general3A_1007 = tpu.matmul %convert_element_type3A_1005, %get3A_1, %dot_general3A_1006 {dimension_numbers = #tpu.dot_dimension_numbers<[1], [0], [0], [1], [0, 0, 1, 1], [], []>, transpose_lhs_hint = false} : vector<1250x512xf32>, vector<512x128xf32>, vector<1250x128xf32> -> vector<1250x128xf32>
    %get3A_1008 = arith.constant 0 : index
    %get3A_1009 = arith.constant 3750 : index
    %get3A_1010 = arith.constant 0 : index
    %get3A_1011 = vector.load %arg0[%get3A_1008, %get3A_1009, %get3A_1010] : memref<2x10016x144xf32, #tpu.memory_space<vmem>>, vector<1x1250x144xf32>
    %get3A_1012 = vector.shape_cast %get3A_1011 : vector<1x1250x144xf32> to vector<1250x144xf32>
    %get3A_1013 = arith.constant 1 : index
    %get3A_1014 = arith.constant 3750 : index
    %get3A_1015 = arith.constant 0 : index
    %get3A_1016 = vector.load %arg0[%get3A_1013, %get3A_1014, %get3A_1015] : memref<2x10016x144xf32, #tpu.memory_space<vmem>>, vector<1x1250x144xf32>
    %get3A_1017 = vector.shape_cast %get3A_1016 : vector<1x1250x144xf32> to vector<1250x144xf32>
    %slice3A_1018 = vector.extract_strided_slice %get3A_1012 {offsets = [0, 0], sizes = [1250, 128], strides = [1, 1]} : vector<1250x144xf32> to vector<1250x128xf32>
    %slice3A_1019 = vector.extract_strided_slice %get3A_1017 {offsets = [0, 0], sizes = [1250, 128], strides = [1, 1]} : vector<1250x144xf32> to vector<1250x128xf32>
    %add3A_1020 = arith.addf %slice3A_1018, %slice3A_1019 : vector<1250x128xf32>
    %slice3A_1021 = vector.extract_strided_slice %get3A_1012 {offsets = [0, 128], sizes = [1250, 1], strides = [1, 1]} : vector<1250x144xf32> to vector<1250x1xf32>
    %slice3A_1022 = vector.extract_strided_slice %get3A_1017 {offsets = [0, 128], sizes = [1250, 1], strides = [1, 1]} : vector<1250x144xf32> to vector<1250x1xf32>
    %add3A_1023 = arith.addf %slice3A_1021, %slice3A_1022 : vector<1250x1xf32>
    %max3A_1024 = arith.constant 1.000000e+00 : f32
    %max3A_1025 = vector.broadcast %max3A_1024 : f32 to vector<1250x1xf32>
    %max3A_1026 = arith.maximumf %add3A_1023, %max3A_1025 : vector<1250x1xf32>
    %div3A_1027 = vector.broadcast %max3A_1026 : vector<1250x1xf32> to vector<1250x128xf32>
    %div3A_1028 = arith.divf %add3A_1020, %div3A_1027 : vector<1250x128xf32>
    %get3A_1029 = arith.constant 3750 : index
    %get3A_1030 = arith.constant 0 : index
    %get3A_1031 = vector.load %arg1[%get3A_1029, %get3A_1030] : memref<10016x128xf32, #tpu.memory_space<vmem>>, vector<1250x128xf32>
    %add3A_1032 = arith.addf %div3A_1028, %get3A_1031 : vector<1250x128xf32>
    %mul3A_1033 = vector.broadcast %div3A_1003 : vector<1250x1xf32> to vector<1250x128xf32>
    %mul3A_1034 = arith.mulf %mul3A_1033, %dot_general3A_1007 : vector<1250x128xf32>
    %add3A_1035 = arith.addf %add3A_1032, %mul3A_1034 : vector<1250x128xf32>
    %dot_general3A_1036 = arith.constant dense<0.000000e+00> : vector<1250x128xf32>
    %dot_general3A_1037 = tpu.matmul %add3A_1035, %get3A_7, %dot_general3A_1036 {dimension_numbers = #tpu.dot_dimension_numbers<[1], [0], [0], [1], [0, 0, 1, 1], [], []>, transpose_lhs_hint = false} : vector<1250x128xf32>, vector<128x128xf32>, vector<1250x128xf32> -> vector<1250x128xf32>
    %swap3A_1038 = arith.constant 3750 : index
    %swap3A_1039 = arith.constant 0 : index
    %swap3A_1040 = vector.load %arg6[%swap3A_1038, %swap3A_1039] : memref<10000x128xf32, #tpu.memory_space<vmem>>, vector<1250x128xf32>
    tpu.vector_store %arg6[%swap3A_1038, %swap3A_1039], %dot_general3A_1037 {strides = array<i32>} : memref<10000x128xf32, #tpu.memory_space<vmem>>, vector<1250x128xf32>,
    %swap3A_1041 = arith.constant 3750 : index
    %swap3A_1042 = arith.constant 0 : index
    %swap3A_1043 = vector.load %arg7[%swap3A_1041, %swap3A_1042] : memref<10000x1xf32, #tpu.memory_space<vmem>>, vector<1250x1xf32>
    tpu.vector_store %arg7[%swap3A_1041, %swap3A_1042], %div3A_1003 {strides = array<i32>} : memref<10000x1xf32, #tpu.memory_space<vmem>>, vector<1250x1xf32>,
    %get3A_1044 = arith.constant 5000 : index
    %get3A_1045 = arith.constant 0 : index
    %get3A_1046 = vector.load %arg2[%get3A_1044, %get3A_1045] : memref<10000x1xi32, #tpu.memory_space<vmem>>, vector<1250x1xi32>
    %eq3A_1047 = vector.broadcast %get3A_1046 : vector<1250x1xi32> to vector<1250x512xi32>
    %eq3A_1048 = vector.broadcast %iota3A : vector<1x512xi32> to vector<1250x512xi32>
    %eq3A_1049 = arith.cmpi eq, %eq3A_1047, %eq3A_1048 : vector<1250x512xi32>
    %get3A_1050 = arith.constant 0 : index
    %get3A_1051 = arith.constant 0 : index
    %get3A_1052 = vector.load %arg11[%get3A_1050, %get3A_1051] : memref<1x512xf32, #tpu.memory_space<vmem>>, vector<1x512xf32>
    %jit3A_1053 = arith.constant 0.000000e+00 : f32
    %broadcast_in_dim3A_1054 = vector.shape_cast %get3A_1052 : vector<1x512xf32> to vector<1x512xf32>
    %broadcast_in_dim3A_1055 = vector.broadcast %broadcast_in_dim3A_1054 : vector<1x512xf32> to vector<1250x512xf32>
    %broadcast_in_dim3A_1056 = vector.broadcast %jit3A_1053 : f32 to vector<1250x512xf32>
    %select_n3A_1057 = arith.select %eq3A_1049, %broadcast_in_dim3A_1055, %broadcast_in_dim3A_1056 : vector<1250x512xi1>, vector<1250x512xf32>
    %reduce_sum3A_1058 = arith.constant dense<0.000000e+00> : vector<1250xf32>
    %reduce_sum3A_1059 = vector.multi_reduction <add>, %select_n3A_1057, %reduce_sum3A_1058 [1] : vector<1250x512xf32> to vector<1250xf32>
    %broadcast_in_dim3A_1060 = vector.shape_cast %reduce_sum3A_1059 : vector<1250xf32> to vector<1250x1xf32>
    %get3A_1061 = arith.constant 0 : index
    %get3A_1062 = arith.constant 4 : index
    %get3A_1063 = vector.load %arg9[%get3A_1061, %get3A_1062] : memref<1250x8xf32, #tpu.memory_space<vmem>>, vector<1250x1xf32>
    %div3A_1064 = arith.divf %get3A_1063, %broadcast_in_dim3A_1060 : vector<1250x1xf32>
    %convert_element_type3A_1065 = arith.extui %eq3A_1049 : vector<1250x512xi1> to vector<1250x512xi32>
    %convert_element_type3A_1066 = arith.sitofp %convert_element_type3A_1065 : vector<1250x512xi32> to vector<1250x512xf32>
    %dot_general3A_1067 = arith.constant dense<0.000000e+00> : vector<1250x128xf32>
    %dot_general3A_1068 = tpu.matmul %convert_element_type3A_1066, %get3A_1, %dot_general3A_1067 {dimension_numbers = #tpu.dot_dimension_numbers<[1], [0], [0], [1], [0, 0, 1, 1], [], []>, transpose_lhs_hint = false} : vector<1250x512xf32>, vector<512x128xf32>, vector<1250x128xf32> -> vector<1250x128xf32>
    %get3A_1069 = arith.constant 0 : index
    %get3A_1070 = arith.constant 5000 : index
    %get3A_1071 = arith.constant 0 : index
    %get3A_1072 = vector.load %arg0[%get3A_1069, %get3A_1070, %get3A_1071] : memref<2x10016x144xf32, #tpu.memory_space<vmem>>, vector<1x1250x144xf32>
    %get3A_1073 = vector.shape_cast %get3A_1072 : vector<1x1250x144xf32> to vector<1250x144xf32>
    %get3A_1074 = arith.constant 1 : index
    %get3A_1075 = arith.constant 5000 : index
    %get3A_1076 = arith.constant 0 : index
    %get3A_1077 = vector.load %arg0[%get3A_1074, %get3A_1075, %get3A_1076] : memref<2x10016x144xf32, #tpu.memory_space<vmem>>, vector<1x1250x144xf32>
    %get3A_1078 = vector.shape_cast %get3A_1077 : vector<1x1250x144xf32> to vector<1250x144xf32>
    %slice3A_1079 = vector.extract_strided_slice %get3A_1073 {offsets = [0, 0], sizes = [1250, 128], strides = [1, 1]} : vector<1250x144xf32> to vector<1250x128xf32>
    %slice3A_1080 = vector.extract_strided_slice %get3A_1078 {offsets = [0, 0], sizes = [1250, 128], strides = [1, 1]} : vector<1250x144xf32> to vector<1250x128xf32>
    %add3A_1081 = arith.addf %slice3A_1079, %slice3A_1080 : vector<1250x128xf32>
    %slice3A_1082 = vector.extract_strided_slice %get3A_1073 {offsets = [0, 128], sizes = [1250, 1], strides = [1, 1]} : vector<1250x144xf32> to vector<1250x1xf32>
    %slice3A_1083 = vector.extract_strided_slice %get3A_1078 {offsets = [0, 128], sizes = [1250, 1], strides = [1, 1]} : vector<1250x144xf32> to vector<1250x1xf32>
    %add3A_1084 = arith.addf %slice3A_1082, %slice3A_1083 : vector<1250x1xf32>
    %max3A_1085 = arith.constant 1.000000e+00 : f32
    %max3A_1086 = vector.broadcast %max3A_1085 : f32 to vector<1250x1xf32>
    %max3A_1087 = arith.maximumf %add3A_1084, %max3A_1086 : vector<1250x1xf32>
    %div3A_1088 = vector.broadcast %max3A_1087 : vector<1250x1xf32> to vector<1250x128xf32>
    %div3A_1089 = arith.divf %add3A_1081, %div3A_1088 : vector<1250x128xf32>
    %get3A_1090 = arith.constant 5000 : index
    %get3A_1091 = arith.constant 0 : index
    %get3A_1092 = vector.load %arg1[%get3A_1090, %get3A_1091] : memref<10016x128xf32, #tpu.memory_space<vmem>>, vector<1250x128xf32>
    %add3A_1093 = arith.addf %div3A_1089, %get3A_1092 : vector<1250x128xf32>
    %mul3A_1094 = vector.broadcast %div3A_1064 : vector<1250x1xf32> to vector<1250x128xf32>
    %mul3A_1095 = arith.mulf %mul3A_1094, %dot_general3A_1068 : vector<1250x128xf32>
    %add3A_1096 = arith.addf %add3A_1093, %mul3A_1095 : vector<1250x128xf32>
    %dot_general3A_1097 = arith.constant dense<0.000000e+00> : vector<1250x128xf32>
    %dot_general3A_1098 = tpu.matmul %add3A_1096, %get3A_7, %dot_general3A_1097 {dimension_numbers = #tpu.dot_dimension_numbers<[1], [0], [0], [1], [0, 0, 1, 1], [], []>, transpose_lhs_hint = false} : vector<1250x128xf32>, vector<128x128xf32>, vector<1250x128xf32> -> vector<1250x128xf32>
    %swap3A_1099 = arith.constant 5000 : index
    %swap3A_1100 = arith.constant 0 : index
    %swap3A_1101 = vector.load %arg6[%swap3A_1099, %swap3A_1100] : memref<10000x128xf32, #tpu.memory_space<vmem>>, vector<1250x128xf32>
    tpu.vector_store %arg6[%swap3A_1099, %swap3A_1100], %dot_general3A_1098 {strides = array<i32>} : memref<10000x128xf32, #tpu.memory_space<vmem>>, vector<1250x128xf32>,
    %swap3A_1102 = arith.constant 5000 : index
    %swap3A_1103 = arith.constant 0 : index
    %swap3A_1104 = vector.load %arg7[%swap3A_1102, %swap3A_1103] : memref<10000x1xf32, #tpu.memory_space<vmem>>, vector<1250x1xf32>
    tpu.vector_store %arg7[%swap3A_1102, %swap3A_1103], %div3A_1064 {strides = array<i32>} : memref<10000x1xf32, #tpu.memory_space<vmem>>, vector<1250x1xf32>,
    %get3A_1105 = arith.constant 6250 : index
    %get3A_1106 = arith.constant 0 : index
    %get3A_1107 = vector.load %arg2[%get3A_1105, %get3A_1106] : memref<10000x1xi32, #tpu.memory_space<vmem>>, vector<1250x1xi32>
    %eq3A_1108 = vector.broadcast %get3A_1107 : vector<1250x1xi32> to vector<1250x512xi32>
    %eq3A_1109 = vector.broadcast %iota3A : vector<1x512xi32> to vector<1250x512xi32>
    %eq3A_1110 = arith.cmpi eq, %eq3A_1108, %eq3A_1109 : vector<1250x512xi32>
    %get3A_1111 = arith.constant 0 : index
    %get3A_1112 = arith.constant 0 : index
    %get3A_1113 = vector.load %arg11[%get3A_1111, %get3A_1112] : memref<1x512xf32, #tpu.memory_space<vmem>>, vector<1x512xf32>
    %jit3A_1114 = arith.constant 0.000000e+00 : f32
    %broadcast_in_dim3A_1115 = vector.shape_cast %get3A_1113 : vector<1x512xf32> to vector<1x512xf32>
    %broadcast_in_dim3A_1116 = vector.broadcast %broadcast_in_dim3A_1115 : vector<1x512xf32> to vector<1250x512xf32>
    %broadcast_in_dim3A_1117 = vector.broadcast %jit3A_1114 : f32 to vector<1250x512xf32>
    %select_n3A_1118 = arith.select %eq3A_1110, %broadcast_in_dim3A_1116, %broadcast_in_dim3A_1117 : vector<1250x512xi1>, vector<1250x512xf32>
    %reduce_sum3A_1119 = arith.constant dense<0.000000e+00> : vector<1250xf32>
    %reduce_sum3A_1120 = vector.multi_reduction <add>, %select_n3A_1118, %reduce_sum3A_1119 [1] : vector<1250x512xf32> to vector<1250xf32>
    %broadcast_in_dim3A_1121 = vector.shape_cast %reduce_sum3A_1120 : vector<1250xf32> to vector<1250x1xf32>
    %get3A_1122 = arith.constant 0 : index
    %get3A_1123 = arith.constant 5 : index
    %get3A_1124 = vector.load %arg9[%get3A_1122, %get3A_1123] : memref<1250x8xf32, #tpu.memory_space<vmem>>, vector<1250x1xf32>
    %div3A_1125 = arith.divf %get3A_1124, %broadcast_in_dim3A_1121 : vector<1250x1xf32>
    %convert_element_type3A_1126 = arith.extui %eq3A_1110 : vector<1250x512xi1> to vector<1250x512xi32>
    %convert_element_type3A_1127 = arith.sitofp %convert_element_type3A_1126 : vector<1250x512xi32> to vector<1250x512xf32>
    %dot_general3A_1128 = arith.constant dense<0.000000e+00> : vector<1250x128xf32>
    %dot_general3A_1129 = tpu.matmul %convert_element_type3A_1127, %get3A_1, %dot_general3A_1128 {dimension_numbers = #tpu.dot_dimension_numbers<[1], [0], [0], [1], [0, 0, 1, 1], [], []>, transpose_lhs_hint = false} : vector<1250x512xf32>, vector<512x128xf32>, vector<1250x128xf32> -> vector<1250x128xf32>
    %get3A_1130 = arith.constant 0 : index
    %get3A_1131 = arith.constant 6250 : index
    %get3A_1132 = arith.constant 0 : index
    %get3A_1133 = vector.load %arg0[%get3A_1130, %get3A_1131, %get3A_1132] : memref<2x10016x144xf32, #tpu.memory_space<vmem>>, vector<1x1250x144xf32>
    %get3A_1134 = vector.shape_cast %get3A_1133 : vector<1x1250x144xf32> to vector<1250x144xf32>
    %get3A_1135 = arith.constant 1 : index
    %get3A_1136 = arith.constant 6250 : index
    %get3A_1137 = arith.constant 0 : index
    %get3A_1138 = vector.load %arg0[%get3A_1135, %get3A_1136, %get3A_1137] : memref<2x10016x144xf32, #tpu.memory_space<vmem>>, vector<1x1250x144xf32>
    %get3A_1139 = vector.shape_cast %get3A_1138 : vector<1x1250x144xf32> to vector<1250x144xf32>
    %slice3A_1140 = vector.extract_strided_slice %get3A_1134 {offsets = [0, 0], sizes = [1250, 128], strides = [1, 1]} : vector<1250x144xf32> to vector<1250x128xf32>
    %slice3A_1141 = vector.extract_strided_slice %get3A_1139 {offsets = [0, 0], sizes = [1250, 128], strides = [1, 1]} : vector<1250x144xf32> to vector<1250x128xf32>
    %add3A_1142 = arith.addf %slice3A_1140, %slice3A_1141 : vector<1250x128xf32>
    %slice3A_1143 = vector.extract_strided_slice %get3A_1134 {offsets = [0, 128], sizes = [1250, 1], strides = [1, 1]} : vector<1250x144xf32> to vector<1250x1xf32>
    %slice3A_1144 = vector.extract_strided_slice %get3A_1139 {offsets = [0, 128], sizes = [1250, 1], strides = [1, 1]} : vector<1250x144xf32> to vector<1250x1xf32>
    %add3A_1145 = arith.addf %slice3A_1143, %slice3A_1144 : vector<1250x1xf32>
    %max3A_1146 = arith.constant 1.000000e+00 : f32
    %max3A_1147 = vector.broadcast %max3A_1146 : f32 to vector<1250x1xf32>
    %max3A_1148 = arith.maximumf %add3A_1145, %max3A_1147 : vector<1250x1xf32>
    %div3A_1149 = vector.broadcast %max3A_1148 : vector<1250x1xf32> to vector<1250x128xf32>
    %div3A_1150 = arith.divf %add3A_1142, %div3A_1149 : vector<1250x128xf32>
    %get3A_1151 = arith.constant 6250 : index
    %get3A_1152 = arith.constant 0 : index
    %get3A_1153 = vector.load %arg1[%get3A_1151, %get3A_1152] : memref<10016x128xf32, #tpu.memory_space<vmem>>, vector<1250x128xf32>
    %add3A_1154 = arith.addf %div3A_1150, %get3A_1153 : vector<1250x128xf32>
    %mul3A_1155 = vector.broadcast %div3A_1125 : vector<1250x1xf32> to vector<1250x128xf32>
    %mul3A_1156 = arith.mulf %mul3A_1155, %dot_general3A_1129 : vector<1250x128xf32>
    %add3A_1157 = arith.addf %add3A_1154, %mul3A_1156 : vector<1250x128xf32>
    %dot_general3A_1158 = arith.constant dense<0.000000e+00> : vector<1250x128xf32>
    %dot_general3A_1159 = tpu.matmul %add3A_1157, %get3A_7, %dot_general3A_1158 {dimension_numbers = #tpu.dot_dimension_numbers<[1], [0], [0], [1], [0, 0, 1, 1], [], []>, transpose_lhs_hint = false} : vector<1250x128xf32>, vector<128x128xf32>, vector<1250x128xf32> -> vector<1250x128xf32>
    %swap3A_1160 = arith.constant 6250 : index
    %swap3A_1161 = arith.constant 0 : index
    %swap3A_1162 = vector.load %arg6[%swap3A_1160, %swap3A_1161] : memref<10000x128xf32, #tpu.memory_space<vmem>>, vector<1250x128xf32>
    tpu.vector_store %arg6[%swap3A_1160, %swap3A_1161], %dot_general3A_1159 {strides = array<i32>} : memref<10000x128xf32, #tpu.memory_space<vmem>>, vector<1250x128xf32>,
    %swap3A_1163 = arith.constant 6250 : index
    %swap3A_1164 = arith.constant 0 : index
    %swap3A_1165 = vector.load %arg7[%swap3A_1163, %swap3A_1164] : memref<10000x1xf32, #tpu.memory_space<vmem>>, vector<1250x1xf32>
    tpu.vector_store %arg7[%swap3A_1163, %swap3A_1164], %div3A_1125 {strides = array<i32>} : memref<10000x1xf32, #tpu.memory_space<vmem>>, vector<1250x1xf32>,
    %get3A_1166 = arith.constant 7500 : index
    %get3A_1167 = arith.constant 0 : index
    %get3A_1168 = vector.load %arg2[%get3A_1166, %get3A_1167] : memref<10000x1xi32, #tpu.memory_space<vmem>>, vector<1250x1xi32>
    %eq3A_1169 = vector.broadcast %get3A_1168 : vector<1250x1xi32> to vector<1250x512xi32>
    %eq3A_1170 = vector.broadcast %iota3A : vector<1x512xi32> to vector<1250x512xi32>
    %eq3A_1171 = arith.cmpi eq, %eq3A_1169, %eq3A_1170 : vector<1250x512xi32>
    %get3A_1172 = arith.constant 0 : index
    %get3A_1173 = arith.constant 0 : index
    %get3A_1174 = vector.load %arg11[%get3A_1172, %get3A_1173] : memref<1x512xf32, #tpu.memory_space<vmem>>, vector<1x512xf32>
    %jit3A_1175 = arith.constant 0.000000e+00 : f32
    %broadcast_in_dim3A_1176 = vector.shape_cast %get3A_1174 : vector<1x512xf32> to vector<1x512xf32>
    %broadcast_in_dim3A_1177 = vector.broadcast %broadcast_in_dim3A_1176 : vector<1x512xf32> to vector<1250x512xf32>
    %broadcast_in_dim3A_1178 = vector.broadcast %jit3A_1175 : f32 to vector<1250x512xf32>
    %select_n3A_1179 = arith.select %eq3A_1171, %broadcast_in_dim3A_1177, %broadcast_in_dim3A_1178 : vector<1250x512xi1>, vector<1250x512xf32>
    %reduce_sum3A_1180 = arith.constant dense<0.000000e+00> : vector<1250xf32>
    %reduce_sum3A_1181 = vector.multi_reduction <add>, %select_n3A_1179, %reduce_sum3A_1180 [1] : vector<1250x512xf32> to vector<1250xf32>
    %broadcast_in_dim3A_1182 = vector.shape_cast %reduce_sum3A_1181 : vector<1250xf32> to vector<1250x1xf32>
    %get3A_1183 = arith.constant 0 : index
    %get3A_1184 = arith.constant 6 : index
    %get3A_1185 = vector.load %arg9[%get3A_1183, %get3A_1184] : memref<1250x8xf32, #tpu.memory_space<vmem>>, vector<1250x1xf32>
    %div3A_1186 = arith.divf %get3A_1185, %broadcast_in_dim3A_1182 : vector<1250x1xf32>
    %convert_element_type3A_1187 = arith.extui %eq3A_1171 : vector<1250x512xi1> to vector<1250x512xi32>
    %convert_element_type3A_1188 = arith.sitofp %convert_element_type3A_1187 : vector<1250x512xi32> to vector<1250x512xf32>
    %dot_general3A_1189 = arith.constant dense<0.000000e+00> : vector<1250x128xf32>
    %dot_general3A_1190 = tpu.matmul %convert_element_type3A_1188, %get3A_1, %dot_general3A_1189 {dimension_numbers = #tpu.dot_dimension_numbers<[1], [0], [0], [1], [0, 0, 1, 1], [], []>, transpose_lhs_hint = false} : vector<1250x512xf32>, vector<512x128xf32>, vector<1250x128xf32> -> vector<1250x128xf32>
    %get3A_1191 = arith.constant 0 : index
    %get3A_1192 = arith.constant 7500 : index
    %get3A_1193 = arith.constant 0 : index
    %get3A_1194 = vector.load %arg0[%get3A_1191, %get3A_1192, %get3A_1193] : memref<2x10016x144xf32, #tpu.memory_space<vmem>>, vector<1x1250x144xf32>
    %get3A_1195 = vector.shape_cast %get3A_1194 : vector<1x1250x144xf32> to vector<1250x144xf32>
    %get3A_1196 = arith.constant 1 : index
    %get3A_1197 = arith.constant 7500 : index
    %get3A_1198 = arith.constant 0 : index
    %get3A_1199 = vector.load %arg0[%get3A_1196, %get3A_1197, %get3A_1198] : memref<2x10016x144xf32, #tpu.memory_space<vmem>>, vector<1x1250x144xf32>
    %get3A_1200 = vector.shape_cast %get3A_1199 : vector<1x1250x144xf32> to vector<1250x144xf32>
    %slice3A_1201 = vector.extract_strided_slice %get3A_1195 {offsets = [0, 0], sizes = [1250, 128], strides = [1, 1]} : vector<1250x144xf32> to vector<1250x128xf32>
    %slice3A_1202 = vector.extract_strided_slice %get3A_1200 {offsets = [0, 0], sizes = [1250, 128], strides = [1, 1]} : vector<1250x144xf32> to vector<1250x128xf32>
    %add3A_1203 = arith.addf %slice3A_1201, %slice3A_1202 : vector<1250x128xf32>
    %slice3A_1204 = vector.extract_strided_slice %get3A_1195 {offsets = [0, 128], sizes = [1250, 1], strides = [1, 1]} : vector<1250x144xf32> to vector<1250x1xf32>
    %slice3A_1205 = vector.extract_strided_slice %get3A_1200 {offsets = [0, 128], sizes = [1250, 1], strides = [1, 1]} : vector<1250x144xf32> to vector<1250x1xf32>
    %add3A_1206 = arith.addf %slice3A_1204, %slice3A_1205 : vector<1250x1xf32>
    %max3A_1207 = arith.constant 1.000000e+00 : f32
    %max3A_1208 = vector.broadcast %max3A_1207 : f32 to vector<1250x1xf32>
    %max3A_1209 = arith.maximumf %add3A_1206, %max3A_1208 : vector<1250x1xf32>
    %div3A_1210 = vector.broadcast %max3A_1209 : vector<1250x1xf32> to vector<1250x128xf32>
    %div3A_1211 = arith.divf %add3A_1203, %div3A_1210 : vector<1250x128xf32>
    %get3A_1212 = arith.constant 7500 : index
    %get3A_1213 = arith.constant 0 : index
    %get3A_1214 = vector.load %arg1[%get3A_1212, %get3A_1213] : memref<10016x128xf32, #tpu.memory_space<vmem>>, vector<1250x128xf32>
    %add3A_1215 = arith.addf %div3A_1211, %get3A_1214 : vector<1250x128xf32>
    %mul3A_1216 = vector.broadcast %div3A_1186 : vector<1250x1xf32> to vector<1250x128xf32>
    %mul3A_1217 = arith.mulf %mul3A_1216, %dot_general3A_1190 : vector<1250x128xf32>
    %add3A_1218 = arith.addf %add3A_1215, %mul3A_1217 : vector<1250x128xf32>
    %dot_general3A_1219 = arith.constant dense<0.000000e+00> : vector<1250x128xf32>
    %dot_general3A_1220 = tpu.matmul %add3A_1218, %get3A_7, %dot_general3A_1219 {dimension_numbers = #tpu.dot_dimension_numbers<[1], [0], [0], [1], [0, 0, 1, 1], [], []>, transpose_lhs_hint = false} : vector<1250x128xf32>, vector<128x128xf32>, vector<1250x128xf32> -> vector<1250x128xf32>
    %swap3A_1221 = arith.constant 7500 : index
    %swap3A_1222 = arith.constant 0 : index
    %swap3A_1223 = vector.load %arg6[%swap3A_1221, %swap3A_1222] : memref<10000x128xf32, #tpu.memory_space<vmem>>, vector<1250x128xf32>
    tpu.vector_store %arg6[%swap3A_1221, %swap3A_1222], %dot_general3A_1220 {strides = array<i32>} : memref<10000x128xf32, #tpu.memory_space<vmem>>, vector<1250x128xf32>,
    %swap3A_1224 = arith.constant 7500 : index
    %swap3A_1225 = arith.constant 0 : index
    %swap3A_1226 = vector.load %arg7[%swap3A_1224, %swap3A_1225] : memref<10000x1xf32, #tpu.memory_space<vmem>>, vector<1250x1xf32>
    tpu.vector_store %arg7[%swap3A_1224, %swap3A_1225], %div3A_1186 {strides = array<i32>} : memref<10000x1xf32, #tpu.memory_space<vmem>>, vector<1250x1xf32>,
    %get3A_1227 = arith.constant 8750 : index
    %get3A_1228 = arith.constant 0 : index
    %get3A_1229 = vector.load %arg2[%get3A_1227, %get3A_1228] : memref<10000x1xi32, #tpu.memory_space<vmem>>, vector<1250x1xi32>
    %eq3A_1230 = vector.broadcast %get3A_1229 : vector<1250x1xi32> to vector<1250x512xi32>
    %eq3A_1231 = vector.broadcast %iota3A : vector<1x512xi32> to vector<1250x512xi32>
    %eq3A_1232 = arith.cmpi eq, %eq3A_1230, %eq3A_1231 : vector<1250x512xi32>
    %get3A_1233 = arith.constant 0 : index
    %get3A_1234 = arith.constant 0 : index
    %get3A_1235 = vector.load %arg11[%get3A_1233, %get3A_1234] : memref<1x512xf32, #tpu.memory_space<vmem>>, vector<1x512xf32>
    %jit3A_1236 = arith.constant 0.000000e+00 : f32
    %broadcast_in_dim3A_1237 = vector.shape_cast %get3A_1235 : vector<1x512xf32> to vector<1x512xf32>
    %broadcast_in_dim3A_1238 = vector.broadcast %broadcast_in_dim3A_1237 : vector<1x512xf32> to vector<1250x512xf32>
    %broadcast_in_dim3A_1239 = vector.broadcast %jit3A_1236 : f32 to vector<1250x512xf32>
    %select_n3A_1240 = arith.select %eq3A_1232, %broadcast_in_dim3A_1238, %broadcast_in_dim3A_1239 : vector<1250x512xi1>, vector<1250x512xf32>
    %reduce_sum3A_1241 = arith.constant dense<0.000000e+00> : vector<1250xf32>
    %reduce_sum3A_1242 = vector.multi_reduction <add>, %select_n3A_1240, %reduce_sum3A_1241 [1] : vector<1250x512xf32> to vector<1250xf32>
    %broadcast_in_dim3A_1243 = vector.shape_cast %reduce_sum3A_1242 : vector<1250xf32> to vector<1250x1xf32>
    %get3A_1244 = arith.constant 0 : index
    %get3A_1245 = arith.constant 7 : index
    %get3A_1246 = vector.load %arg9[%get3A_1244, %get3A_1245] : memref<1250x8xf32, #tpu.memory_space<vmem>>, vector<1250x1xf32>
    %div3A_1247 = arith.divf %get3A_1246, %broadcast_in_dim3A_1243 : vector<1250x1xf32>
    %convert_element_type3A_1248 = arith.extui %eq3A_1232 : vector<1250x512xi1> to vector<1250x512xi32>
    %convert_element_type3A_1249 = arith.sitofp %convert_element_type3A_1248 : vector<1250x512xi32> to vector<1250x512xf32>
    %dot_general3A_1250 = arith.constant dense<0.000000e+00> : vector<1250x128xf32>
    %dot_general3A_1251 = tpu.matmul %convert_element_type3A_1249, %get3A_1, %dot_general3A_1250 {dimension_numbers = #tpu.dot_dimension_numbers<[1], [0], [0], [1], [0, 0, 1, 1], [], []>, transpose_lhs_hint = false} : vector<1250x512xf32>, vector<512x128xf32>, vector<1250x128xf32> -> vector<1250x128xf32>
    %get3A_1252 = arith.constant 0 : index
    %get3A_1253 = arith.constant 8750 : index
    %get3A_1254 = arith.constant 0 : index
    %get3A_1255 = vector.load %arg0[%get3A_1252, %get3A_1253, %get3A_1254] : memref<2x10016x144xf32, #tpu.memory_space<vmem>>, vector<1x1250x144xf32>
    %get3A_1256 = vector.shape_cast %get3A_1255 : vector<1x1250x144xf32> to vector<1250x144xf32>
    %get3A_1257 = arith.constant 1 : index
    %get3A_1258 = arith.constant 8750 : index
    %get3A_1259 = arith.constant 0 : index
    %get3A_1260 = vector.load %arg0[%get3A_1257, %get3A_1258, %get3A_1259] : memref<2x10016x144xf32, #tpu.memory_space<vmem>>, vector<1x1250x144xf32>
    %get3A_1261 = vector.shape_cast %get3A_1260 : vector<1x1250x144xf32> to vector<1250x144xf32>
    %slice3A_1262 = vector.extract_strided_slice %get3A_1256 {offsets = [0, 0], sizes = [1250, 128], strides = [1, 1]} : vector<1250x144xf32> to vector<1250x128xf32>
    %slice3A_1263 = vector.extract_strided_slice %get3A_1261 {offsets = [0, 0], sizes = [1250, 128], strides = [1, 1]} : vector<1250x144xf32> to vector<1250x128xf32>
    %add3A_1264 = arith.addf %slice3A_1262, %slice3A_1263 : vector<1250x128xf32>
    %slice3A_1265 = vector.extract_strided_slice %get3A_1256 {offsets = [0, 128], sizes = [1250, 1], strides = [1, 1]} : vector<1250x144xf32> to vector<1250x1xf32>
    %slice3A_1266 = vector.extract_strided_slice %get3A_1261 {offsets = [0, 128], sizes = [1250, 1], strides = [1, 1]} : vector<1250x144xf32> to vector<1250x1xf32>
    %add3A_1267 = arith.addf %slice3A_1265, %slice3A_1266 : vector<1250x1xf32>
    %max3A_1268 = arith.constant 1.000000e+00 : f32
    %max3A_1269 = vector.broadcast %max3A_1268 : f32 to vector<1250x1xf32>
    %max3A_1270 = arith.maximumf %add3A_1267, %max3A_1269 : vector<1250x1xf32>
    %div3A_1271 = vector.broadcast %max3A_1270 : vector<1250x1xf32> to vector<1250x128xf32>
    %div3A_1272 = arith.divf %add3A_1264, %div3A_1271 : vector<1250x128xf32>
    %get3A_1273 = arith.constant 8750 : index
    %get3A_1274 = arith.constant 0 : index
    %get3A_1275 = vector.load %arg1[%get3A_1273, %get3A_1274] : memref<10016x128xf32, #tpu.memory_space<vmem>>, vector<1250x128xf32>
    %add3A_1276 = arith.addf %div3A_1272, %get3A_1275 : vector<1250x128xf32>
    %mul3A_1277 = vector.broadcast %div3A_1247 : vector<1250x1xf32> to vector<1250x128xf32>
    %mul3A_1278 = arith.mulf %mul3A_1277, %dot_general3A_1251 : vector<1250x128xf32>
    %add3A_1279 = arith.addf %add3A_1276, %mul3A_1278 : vector<1250x128xf32>
    %dot_general3A_1280 = arith.constant dense<0.000000e+00> : vector<1250x128xf32>
    %dot_general3A_1281 = tpu.matmul %add3A_1279, %get3A_7, %dot_general3A_1280 {dimension_numbers = #tpu.dot_dimension_numbers<[1], [0], [0], [1], [0, 0, 1, 1], [], []>, transpose_lhs_hint = false} : vector<1250x128xf32>, vector<128x128xf32>, vector<1250x128xf32> -> vector<1250x128xf32>
    %swap3A_1282 = arith.constant 8750 : index
    %swap3A_1283 = arith.constant 0 : index
    %swap3A_1284 = vector.load %arg6[%swap3A_1282, %swap3A_1283] : memref<10000x128xf32, #tpu.memory_space<vmem>>, vector<1250x128xf32>
    tpu.vector_store %arg6[%swap3A_1282, %swap3A_1283], %dot_general3A_1281 {strides = array<i32>} : memref<10000x128xf32, #tpu.memory_space<vmem>>, vector<1250x128xf32>,
    %swap3A_1285 = arith.constant 8750 : index
    %swap3A_1286 = arith.constant 0 : index
    %swap3A_1287 = vector.load %arg7[%swap3A_1285, %swap3A_1286] : memref<10000x1xf32, #tpu.memory_space<vmem>>, vector<1250x1xf32>
    tpu.vector_store %arg7[%swap3A_1285, %swap3A_1286], %div3A_1247 {strides = array<i32>} : memref<10000x1xf32, #tpu.memory_space<vmem>>, vector<1250x1xf32>,
    return
  }
}

</mosaic_0001>

<sc_bundles>
// kernel: kernel.6.cloned.1.call-start
scs
__scs_entry_jumppad:
0x0: {  	(pc) =	sbr.rel $0x88, $3  }
0x1: {  	(tag) =	ssettag $0x0;
	lr =	simm.s32 $0x1  }
0x2: {  	[smem:$0x3F95] =	sst lr;
	_ =	strace $0xD0000000  }
0x3: {  	_ = 	snop  }
0x4: {  	_ = 	snop  }
0x5: {  	_ = 	snop  }
0x6: {  	_ = 	snop  }
0x7: {  	_ = 	snop  }
__scs_overlays_trampoline_lowered:
0x8: {  	[smem:$0x3FA4] =	sst s0  }
0x9: {  	[smem:$0x3FA5] =	sst s1  }
0xa: {  	[smem:$0x3FA6] =	sst s2  }
0xb: {  	[smem:$0x3FA7] =	sst s3  }
0xc: {  	[smem:$0x3FA8] =	sst s4  }
0xd: {  	[smem:$0x3FA9] =	sst s5  }
0xe: {  	[smem:$0x3FAA] =	sst s6  }
0xf: {  	[smem:$0x3FAB] =	sst s7  }
0x10: {  	[smem:$0x3FAC] =	sst s8  }
0x11: {  	[smem:$0x3FAD] =	sst s9;
	s0 =	simm.s32 @!p0 $0x0  }
0x12: {  	s1 =	sld [smem:$0x3F93];
	s0 =	simm.s32 @p0 $0x1  }
0x13: {  	[smem:$0x3FAE] =	sst s0;
	s0 =	simm.s32 @!p1 $0x0  }
0x14: {  	s2 =	sld [smem:$0x3F92];
	s0 =	simm.s32 @p1 $0x1  }
0x15: {  	[smem:$0x3FAF] =	sst s0;
	s0 =	simm.s32 @!p2 $0x0  }
0x16: {  	s3 =	sld [smem:$0x3FDB];
	s0 =	simm.s32 @p2 $0x1  }
0x17: {  	s4 =	simm.s32 $0x1BF5;
	[smem:$0x3FB1] =	sst s0  }
0x18: {  	s0 =	sld [smem:$0x3F94];
	_ =	swait.ge [sflag:s4], $0x0  }
0x19: {  	s7 =	sld [smem:$0x3F95]  }
0x1a: {  	s8 =	sadd.s32 $0xFFFFE003, lr  }
0x1b: {  	s9 =	sadd.s32 $0xFFFFFEF7, lr;
	s5 =	simm.s32 $0xFFFFFFFF;
	p2 =	slt.u32 s8, $0xFFFFF086  }
0x1c: {  	p1 =	slt.u32 s9, $0xF7A;
	s5 =	simm.s32 @!p2 $0x0  }
0x1d: {  	s5 =	simm.s32 @p1 $0x1;
	p0 =	seq.s32 s7, s2  }
0x1e: {  	s7 =	smul.u32 @!p0 $0xF7A, s2;
	p2 =	seq.s32 @!p0 s5, $0x0  }
0x1f: {  	s9 =	smul.u32 $0xF7A, s1;
	s8 =	simm.s32 @!p0 $0x1BF5;
	p2 =	por !p2, p0  }
0x20: {  	[sflag:s8] =	ssyncset.s32 @!p0 $0xFFFFF086;
	s6 =	sadd.s32 @!p0 s3, s7;
	s7 =	simm.s32 @!p0 $0x108  }
0x21: {  	s3 =	sadd.s32 s3, s9;
	s6 =	sadd.s32 @!p0 $0x88, s6;
	s7 =	simm.s32 @p2 $0x1082  }
0x22: {  	[simem:s7], [sflag:s8] =	dma.local @!p0 [hbm:s6], $0xF7A  }
0x23: {  	s9 =	sor.u32 $0xD0000000, s2;
	s6 =	simm.s32 $0x108;
	_ =	swait.ge @!p0 [sflag:s8], $0x0  }
0x24: {  	s3 =	sadd.s32 $0x88, s3;
	s6 =	simm.s32 @!p1 $0x1082;
	[sflag:s4] =	ssyncset.s32 $0xFFFFF086  }
0x25: {  	[simem:s6], [sflag:s4] =	dma.local [hbm:s3], $0xF7A  }
0x26: {  	[smem:$0x3F95] =	sst s1;
	(tag) =	ssettag s2;
	_ =	strace s9  }
0x27: {  	s1 =	sld [smem:$0x3FA5]  }
0x28: {  	s2 =	sld [smem:$0x3FA6]  }
0x29: {  	s4 =	sld [smem:$0x3FA8]  }
0x2a: {  	p0 =	seq.s32 s5, $0x0;
	s5 =	sld [smem:$0x3FA9]  }
0x2b: {  	s6 =	sld [smem:$0x3FAA]  }
0x2c: {  	s7 =	sld [smem:$0x3FAB]  }
0x2d: {  	s3 =	simm.s32 $0x108;
	s8 =	sld [smem:$0x3FAC]  }
0x2e: {  	s3 =	simm.s32 @!p0 $0x1082;
	s9 =	sld [smem:$0x3FAD]  }
0x2f: {  	lr =	sadd.s32 s0, s3;
	s0 =	sld [smem:$0x3FA4]  }
0x30: {  	s3 =	sld [smem:$0x3FA7]  }
0x31: {  	[smem:$0x3FB0] =	sst s10  }
0x32: {  	s10 =	sld [smem:$0x3FAE];
	_ =	sdelay $0x3  }
0x33: {  	p0 =	seq.s32 s10, $0x1;
	s10 =	sld [smem:$0x3FB0];
	_ =	sdelay $0x3  }
0x34: {  	[smem:$0x3FB0] =	sst s10  }
0x35: {  	s10 =	sld [smem:$0x3FAF];
	_ =	sdelay $0x3  }
0x36: {  	p1 =	seq.s32 s10, $0x1;
	s10 =	sld [smem:$0x3FB0];
	_ =	sdelay $0x3  }
0x37: {  	[smem:$0x3FB0] =	sst s10  }
0x38: {  	s10 =	sld [smem:$0x3FB1]  }
0x39: {  	_ = 	snop;
	(pc) =	sbr.ind lr, $3  }
0x3a: {  	_ = 	snop  }
0x3b: {  	_ = 	snop  }
0x3c: {  	p2 =	seq.s32 s10, $0x1;
	s10 =	sld [smem:$0x3FB0]  }
0x3d: {  	_ =	shalt  }
0x3e: {  	_ =	shalt  }
0x3f: {  	_ =	shalt  }
0x40: {  	_ =	shalt  }
0x41: {  	_ =	shalt  }
0x42: {  	_ =	shalt  }
0x43: {  	_ =	shalt  }
0x44: {  	_ =	shalt  }
0x45: {  	_ =	shalt  }
0x46: {  	_ =	shalt  }
0x47: {  	_ =	shalt  }
0x48: {  	_ =	shalt  }
0x49: {  	_ =	shalt  }
0x4a: {  	_ =	shalt  }
0x4b: {  	_ =	shalt  }
0x4c: {  	_ =	shalt  }
0x4d: {  	_ =	shalt  }
0x4e: {  	_ =	shalt  }
0x4f: {  	_ =	shalt  }
0x50: {  	_ =	shalt  }
0x51: {  	_ =	shalt  }
0x52: {  	_ =	shalt  }
0x53: {  	_ =	shalt  }
0x54: {  	_ =	shalt  }
0x55: {  	_ =	shalt  }
0x56: {  	_ =	shalt  }
0x57: {  	_ =	shalt  }
0x58: {  	_ =	shalt  }
0x59: {  	_ =	shalt  }
0x5a: {  	_ =	shalt  }
0x5b: {  	_ =	shalt  }
0x5c: {  	_ =	shalt  }
0x5d: {  	_ =	shalt  }
0x5e: {  	_ =	shalt  }
0x5f: {  	_ =	shalt  }
0x60: {  	_ =	shalt  }
0x61: {  	_ =	shalt  }
0x62: {  	_ =	shalt  }
0x63: {  	_ =	shalt  }
0x64: {  	_ =	shalt  }
0x65: {  	_ =	shalt  }
0x66: {  	_ =	shalt  }
0x67: {  	_ =	shalt  }
0x68: {  	_ =	shalt  }
0x69: {  	_ =	shalt  }
0x6a: {  	_ =	shalt  }
0x6b: {  	_ =	shalt  }
0x6c: {  	_ =	shalt  }
0x6d: {  	_ =	shalt  }
0x6e: {  	_ =	shalt  }
0x6f: {  	_ =	shalt  }
0x70: {  	_ =	shalt  }
0x71: {  	_ =	shalt  }
0x72: {  	_ =	shalt  }
0x73: {  	_ =	shalt  }
0x74: {  	_ =	shalt  }
0x75: {  	_ =	shalt  }
0x76: {  	_ =	shalt  }
0x77: {  	_ =	shalt  }
0x78: {  	_ =	shalt  }
0x79: {  	_ =	shalt  }
0x7a: {  	_ =	shalt  }
0x7b: {  	_ =	shalt  }
0x7c: {  	_ =	shalt  }
0x7d: {  	_ =	shalt  }
0x7e: {  	_ =	shalt  }
0x7f: {  	_ =	shalt  }
0x80: {  	_ =	shalt  }
0x81: {  	_ =	shalt  }
0x82: {  	_ =	shalt  }
0x83: {  	_ =	shalt  }
0x84: {  	_ =	shalt  }
0x85: {  	_ =	shalt  }
0x86: {  	_ =	shalt  }
0x87: {  	_ =	shalt  }
.Lfunc_end0:
.L_simem_size_0:
called_computation_lowered:
.L_overlay_start_0:
0x88: {  	s2 =	sld [smem:$0x3FD9]  }
0x89: {  	s3 =	sld [smem:$0x3FFE];
	_ =	sdelay $0x1  }
0x8a: {  	s1 =	srdreg.scid  }
0x8b: {  	s0 =	sand.u32 $0x1, s1  }
0x8c: {  	s14 =	sshll.u32 s0, $0xA;
	s2 =	sadd.s32 s3, s2  }
0x8d: {  	s2 =	sadd.s32 s2, s14  }
0x8e: {  	[smem:$0x3FBC] =	sst s2  }
0x8f: {  	_ = 	snop  }
0x90: {  	s2 =	sld [smem:$0x3FD0];
	_ =	sdelay $0x2  }
0x91: {  	s15 =	simm.s32 $0xA;
	s4 =	simm.s32 $0x10  }
0x92: {  	[smem:s4], [sflag:s15] =	dma.local [hbm:s2], $0x1  }
0x93: {  	_ =	swait.eq [sflag:s15], $0x1  }
0x94: {  	[sflag:s15] =	ssyncset.done $0x0  }
0x95: {  	[sflag:s15] =	ssyncadd.s32 $0xFFFFFFFF  }
0x96: {  	s16 =	sld [smem:$0x10];
	(tm) =	ssettm $0x1  }
0x97: {  	s17 =	sld [smem:$0x3FFB];
	_ =	sdelay $0x3  }
0x98: {  	_ =	strace s17  }
0x99: {  	s3 =	sld [smem:$0x3FFC];
	_ =	sdelay $0x3  }
0x9a: {  	_ =	strace s3  }
0x9b: {  	s3 =	sld [smem:$0x3FFD];
	_ =	sdelay $0x3  }
0x9c: {  	_ =	strace s3  }
0x9d: {  	_ =	strace $0x8FFFFFFF  }
0x9e: {  	s18 =	sld [smem:$0x3FDB];
	_ =	sdelay $0x1  }
0x9f: {  	s19 =	simm.s32 $_scs_section_size  }
0xa0: {  	s5 =	simm.s32 $_size__tile_overlayer_lowered;
	s6 =	simm.s32 $_tile_overlayer_lowered  }
0xa1: {  	s22 =	simm.s32 $0x1BFF;
	s21 =	sshll.u32 s6, $0x1;
	s3 =	sadd.s32 s19, s18  }
0xa2: {  	s7 =	simm.s32 $0x0;
	s20 =	sshll.u32 s5, $0x1;
	s5 =	sadd.s32 s21, s3  }
0xa3: {  	[timem:s7], [sflag:s22] =	dma.local [hbm:s5], s20  }
0xa4: {  	_ =	swait.ge [sflag:s22], s20  }
0xa5: {  	s4 =	ssub.s32 $0x0, s20;
	[sflag:s22] =	ssyncset.done $0x0  }
0xa6: {  	[sflag:s22] =	ssyncadd.s32 s4;
	_ =	sdelay $0x1  }
0xa7: {  	s23 =	simm.s32 $0x1B8B  }
0xa8: {  	_ =	swait.ge [sflag:s23], $0x1  }
0xa9: {  	[sflag:s23] =	ssyncset.done $0x0  }
0xaa: {  	s25 =	simm.s32 $0x1B8E;
	s24 =	sld [smem:$0x3FFE];
	[sflag:s23] =	ssyncadd.s32 $0xFFFFFFFF  }
0xab: {  	s26 =	simm.s32 $execute0_lowered;
	[smem:$0x3FD2] =	sst s25  }
0xac: {  	s5 =	sshll.u32 s26, $0x1;
	_ =	strace $0x80000046;
	[dreg:$0x1] =	wrdreg $0xFFFFFFFF  }
0xad: {  	s28 =	simm.s32 $_size_execute0_lowered;
	s3 =	sadd.s32 s3, s5;
	[dreg:$0x0] =	wrdreg $0x0  }
0xae: {  	s5 =	sshll.u32 s28, $0x1;
	[dreg:$0x2] =	wrdreg s3  }
0xaf: {  	[dreg:$0x3] =	wrdreg s5  }
0xb0: {  	[dreg:$0x4] =	wrdreg $0xC0  }
0xb1: {  	_ =	task [dreg:s7], $0x5FFFF  }
0xb2: {  	[dreg:$0x1] =	wrdreg $0xFFFFFFFF  }
0xb3: {  	[dreg:$0x0] =	wrdreg $0x60  }
0xb4: {  	[dreg:$0x2] =	wrdreg s24  }
0xb5: {  	[dreg:$0x3] =	wrdreg s16  }
0xb6: {  	[dreg:$0x4] =	wrdreg $0x97000  }
0xb7: {  	[dreg:$0x5] =	wrdreg $0x9  }
0xb8: {  	_ =	task.clear_ibuf [dreg:s7], $0x6FFFF;
	_ =	strace $0x90000046  }
0xb9: {  	s29 =	simm.s32 $0x9;
	_ =	strace $0x80000048  }
0xba: {  	_ =	swait.ge [sflag:s29], $0x1  }
0xbb: {  	[sflag:s29] =	ssyncadd.s32 $0xFFFFFFFF  }
0xbc: {  	_ =	strace $0x90000048  }
0xbd: {  	_ =	sfence  }
0xbe: {  	s30 =	sld [smem:$0x0];
	_ =	sdelay $0x2  }
0xbf: {  	s31 =	sshll.u32 s1, $0xD;
	s1 =	sshrl.u32 s1, $0x2  }
0xc0: {  	s3 =	sand.u32 $0x4000, s31;
	s1 =	sadd.s32 s1, s30  }
0xc1: {  	s0 =	sor.u32 s3, s0;
	s1 =	sshll.u32 s1, $0x11  }
0xc2: {  	s0 =	sor.u32 s1, s0  }
0xc3: {  	s0 =	sadd.s32 $0x8F2B, s0  }
0xc4: {  	[sflag:s0] =	ssyncadd.remote.s32 $0x1  }
0xc5: {  	_ =	sfence.sel $0xFFFF  }
0xc6: {  	[dreg:$0x0] =	wrdreg $0xFFFFFFFF;
	(pc) =	sbr.abs _section_cstart, $3  }
0xc7: {  	[dreg:$0x1] =	wrdreg $0xFFFFFFFF  }
0xc8: {  	_ =	task.clear_ibuf [dreg:s7], $0x2FFFF;
	_ =	strace $0x9FFFFFFF  }
0xc9: {  	(tm) =	ssettm $0x7FFFFFFF  }
tec
execute0_lowered:
.L_overlay_start_1:
0x0: {  	(tag) =	ssettag $0x1  }
0x1: {  	s5 =	rddreg [dreg:$0x0]  }
0x2: {  	s7 =	rddreg [dreg:$0x1]  }
0x3: {  	s0 =	srdreg.scid;
	s2 =	rddreg [dreg:$0x2]  }
0x4: {  	s1 =	rddreg [dreg:$0x3];
	s6 =	sand.u32 $0x1, s0  }
0x5: {  	s0 =	stileid.u32;
	s4 =	smul.u32 $0x27800, s6  }
0x6: {  	s3 =	simm.s32 $0x0;
	s15 =	simm.s32 $0x4F00;
	s8 =	smul.u32 $0x2780, s0  }
0x7: {  	s16 =	simm.s32 $0x1;
	s17 =	simm.s32 $0x0;
	s9 =	smul.u32 $0x16020, s0  }
0x8: {  	[smem:$0x7FF] =	sst s3;
	s10 =	smul.u32 $0x160200, s6;
	s6 =	ssub.s32 $0x2, s6  }
0x9: {  	_ =	strace $0x80000047;
	s31 =	sshll.u32 s0, $0x6;
	s13 =	sshrl.u32 s6, $0x1  }
0xa: {  	s8 =	sadd.s32 s8, s4;
	s4 =	sadd.s32 $0x273A00, s5;
	s10 =	sadd.s32 s9, s10  }
0xb: {  	s12 =	sshrl.u32 s9, $0x3;
	s13 =	ssub.s32 s6, s13;
	s14 =	sadd.s32 s9, s2  }
0xc: {  	s6 =	sor.u32 $0x1C02, s31;
	s8 =	sshrl.u32 s8, $0x3;
	s10 =	sshrl.u32 s10, $0x3  }
0xd: {  	s12 =	sadd.s32 s12, s5;
	s11 =	sadd.s32 s8, s5;
	s10 =	sadd.s32 s10, s5  }
0xe: {  	s5 =	sadd.s32 $0xB800, s12;
	s7 =	sadd.s32 s7, s8;
	s12 =	simm.s32 $0x2  }
0xf: {  	s8 =	sadd.s32 $0x1A00, s11;
	s9 =	sadd.s32 $0x37A00, s10;
	s10 =	smax.u32 s13, $0x1  }
0x10: {  	s11 =	sshrl.u32 s14, $0x3;
	s13 =	simm.s32 $0x2780;
	s14 =	simm.s32 $0x80  }
.LBB2_1:
0x11: {  	[spmem:s11], [sflag:s6] =	dma.local [hbm:s5], $0x2C04  }
0x12: {  	_ =	swait.ge [sflag:s12], $0x2C04  }
0x13: {  	[sflag:s12] =	ssyncset.done $0x0  }
0x14: {  	[sflag:s12] =	ssyncadd.s32 $0xFFFFD3FC  }
0x15: {  	[tilespmem:s3], [sflag:$0x2] =	stream.linear.gather [hbm4b:s7+s3], $0x2780, $0x38;
	[tilespmem:$0x1F720] =	vst v63  }
0x16: {  	_ =	swait.ge [sflag:s12], $0x2780  }
0x17: {  	[sflag:s12] =	ssyncset.done $0x0  }
0x18: {  	[sflag:s12] =	ssyncadd.s32 $0xFFFFD880  }
0x19: {  	[tilespmem:s13], [sflag:$0x2] =	stream.linear.gather [hbm4b:s8+s3], $0x2780, $0x38;
	[tilespmem:$0x1F720] =	vst v63  }
0x1a: {  	_ =	swait.ge [sflag:s12], $0x2780  }
0x1b: {  	[sflag:s12] =	ssyncset.done $0x0  }
0x1c: {  	[sflag:s12] =	ssyncadd.s32 $0xFFFFD880  }
0x1d: {  	s18 =	simm.s32 $0x0;
	[bflag:$0x0] =	sbarrier.arrive $0xFFFF  }
0x1e: {  	[tilespmem:s15], [sflag:$0x1] =	stream.indirect.gather [hbm4b:s4+s14], $0x90, s18, s14, $0xb8;
	[tilespmem:$0x1F720] =	vst v63  }
0x1f: {  	_ =	swait.ge [sflag:s16], $0x4800  }
0x20: {  	[sflag:s16] =	ssyncset.done $0x0  }
0x21: {  	s31 =	simm.s32 $0x2780;
	[sflag:s16] =	ssyncadd.s32 $0xFFFFB800  }
0x22: {  	[spmem:s2] =	stream.indirect.scatter.add.f32 [tilespmem:s15], [sflag:$0x2], $0x90, s31, s14, $0xb8;
	[tilespmem:$0x1F720] =	vst v63  }
0x23: {  	_ =	swait.ge [sflag:s12], $0x4800  }
0x24: {  	s19 =	simm.s32 $0x400;
	s18 =	simm.s32 $0x200;
	[sflag:s12] =	ssyncset.done $0x0  }
.LBB2_2:
0x25: {  	s20 =	sshra.s32 s18, $0x2  }
0x26: {  	[sflag:s12] =	ssyncadd.s32 $0xFFFFB800;
	s18 =	smov.u32 s19;
	s21 =	sadd.s32 $0x200, s19  }
0x27: {  	[tilespmem:s15], [sflag:$0x1] =	stream.indirect.gather [hbm4b:s4+s14], $0x90, s20, s14, $0xb8;
	[tilespmem:$0x1F720] =	vst v63  }
0x28: {  	p0 =	sne.s32 s19, $0x9C00;
	_ =	swait.ge [sflag:s16], $0x4800  }
.Ltmp0:
0x29: {  	[sflag:s16] =	ssyncset.done $0x0;
	(pc) =	sbr.rel @p0 .LBB2_2-.Ltmp0, $4  }
0x2a: {  	s19 =	sadd.s32 $0x2780, s20;
	[sflag:s16] =	ssyncadd.s32 $0xFFFFB800  }
0x2b: {  	[spmem:s2] =	stream.indirect.scatter.add.f32 [tilespmem:s15], [sflag:$0x2], $0x90, s19, s14, $0xb8;
	[tilespmem:$0x1F720] =	vst v63  }
0x2c: {  	_ =	swait.ge [sflag:s12], $0x4800  }
0x2d: {  	s19 =	smov.u32 s21;
	[sflag:s12] =	ssyncset.done $0x0  }
0x2e: {  	s18 =	sshra.s32 s18, $0x2;
	[sflag:s12] =	ssyncadd.s32 $0xFFFFB800  }
0x2f: {  	[tilespmem:s15], [sflag:$0x1] =	stream.indirect.gather [hbm4b:s4+s14], $0x90, s18, s14, $0xb8;
	[tilespmem:$0x1F720] =	vst v63  }
0x30: {  	_ =	swait.ge [sflag:s16], $0x4800  }
0x31: {  	[sflag:s16] =	ssyncset.done $0x0  }
0x32: {  	s18 =	sadd.s32 $0x2780, s18;
	[sflag:s16] =	ssyncadd.s32 $0xFFFFB800  }
0x33: {  	[spmem:s2] =	stream.indirect.scatter.add.f32 [tilespmem:s15], [sflag:$0x2], $0x90, s18, s14, $0xb8;
	[tilespmem:$0x1F720] =	vst v63  }
0x34: {  	_ =	swait.ge [sflag:s12], $0x4800  }
0x35: {  	s17 =	sadd.s32 $0x1, s17;
	[sflag:s12] =	ssyncset.done $0x0  }
0x36: {  	p0 =	sne.s32 s17, s10;
	[sflag:s12] =	ssyncadd.s32 $0xFFFFB800  }
.Ltmp1:
0x37: {  	[bflag:$0x0] =	sbarrier.arrive $0xFFFF;
	(pc) =	sbr.rel @p0 .LBB2_1-.Ltmp1, $4  }
0x38: {  	[hbm:s9], [sflag:s6] =	dma.local [spmem:s11], $0x2C04  }
0x39: {  	_ =	swait.ge [sflag:s12], $0x2C04  }
0x3a: {  	[sflag:s12] =	ssyncset.done $0x0  }
0x3b: {  	[sflag:s12] =	ssyncadd.s32 $0xFFFFD3FC  }
0x3c: {  	_ =	sfence.sel $0x180000  }
0x3d: {  	[bflag:$0x0] =	sbarrier.arrive $0xFFFF  }
0x3e: {  	p0 =	sne.s32 s0, $0x0;
	_ =	strace $0x90000047  }
0x3f: {  	s0 =	sadd.s32 @!p0 $0x100000, s1;
	[bflag:$0x2] =	sbarrier.arrive $0xFFFF  }
0x40: {  	[sflag:s0] =	ssyncadd.tile.s32 @!p0 $0x1;
	_ =	shalt  }
.Lfunc_end2:
_tile_overlayer_lowered:
.L_overlay_start_2:
0x41: {  	(tag) =	ssettag $0x2  }
0x42: {  	s0 =	rddreg [dreg:$0x0];
	s2 =	stileid.u32  }
0x43: {  	s1 =	rddreg [dreg:$0x1];
	p0 =	sne.s32 s2, $0x0  }
0x44: {  	s3 =	rddreg [dreg:$0x2];
	[bflag:$0x3] =	sbarrier.arrive $0xFFFF;
	s2 =	simm.s32 @!p0 $0x1C02  }
0x45: {  	[timem:s3], [sflag:s2] =	dma.local @!p0 [hbm:s0], s1  }
0x46: {  	s0 =	simm.s32 @!p0 $0x2  }
0x47: {  	_ =	swait.ge @!p0 [sflag:s0], s1  }
0x48: {  	s1 =	ssub.s32 @!p0 $0x0, s1;
	[sflag:s0] =	ssyncset.done @!p0 $0x0  }
0x49: {  	[sflag:s0] =	ssyncadd.s32 @!p0 s1  }
0x4a: {  	[bflag:$0x3] =	sbarrier.arrive $0xFFFF  }
0x4b: {  	_ =	shalt  }

</sc_bundles>
